<compile_context>
chip_gen: v7x
topology: tpu7x:2x2x1
jax: 0.10.2.dev20260603
libtpu: 0.0.44.dev20260713+nightly
codegen_flags: <defaults>
</compile_context>

<pallas_src>
import functools

import jax
import jax.numpy as jnp
from jax import lax
from jax.experimental import pallas as pl
from jax.experimental.pallas import tpu as pltpu
from jax.experimental.pallas import tpu_sc as plsc

N_NODES = 10000
NPAD = 10240
N_EDGES = 320000
NFEAT = 128
CHUNK = 128
NCHUNKS = N_EDGES // CHUNK
NC = 2
NS = 16
NW = NC * NS
ROWS_PER_TILE = NPAD // NS
WB = 128
CNTW = 16
BLK = 2048


def _sc_agg_body(with_cnt, *refs):
    if with_cnt:
        (xh, src, dst, aggs_out, cnt_out,
         acc, idx_s, idx_d, rows, cnt_tile, sem) = refs
    else:
        (xh, src, dst, aggs_out,
         acc, idx_s, idx_d, rows, sem) = refs
        cnt_out = cnt_tile = None

    c = lax.axis_index("c")
    s = lax.axis_index("s")
    wid = c * NS + s
    base = s * ROWS_PER_TILE

    def zero_loop(i, carry):
        for j in range(NFEAT // 16):
            rows[i, pl.ds(j * 16, 16)] = jnp.zeros((16,), jnp.float32)
        return carry
    lax.fori_loop(0, CHUNK, zero_loop, 0)

    if with_cnt:
        def zero_cnt(i, carry):
            cnt_tile[pl.ds(i * 16, 16)] = jnp.zeros((16,), jnp.float32)
            return carry
        lax.fori_loop(0, NPAD // 16, zero_cnt, 0)

    for t in range(ROWS_PER_TILE // WB):
        r0 = base + t * WB
        pltpu.sync_copy(rows.at[pl.ds(0, WB)], acc.at[pl.ds(r0, WB)])

    plsc.subcore_barrier()

    nk = (NCHUNKS - wid + NW - 1) // NW

    def edge_body(k, carry):
        e0 = (wid + k * NW) * CHUNK
        pltpu.sync_copy(src.at[pl.ds(e0, CHUNK)], idx_s)
        pltpu.sync_copy(dst.at[pl.ds(e0, CHUNK)], idx_d)
        pltpu.async_copy(xh.at[idx_s], rows, sem).wait()
        pltpu.sync_copy(rows, acc.at[idx_d], add=True)
        if with_cnt:
            ones16 = jnp.ones((16,), jnp.float32)
            for j in range(CHUNK // 16):
                plsc.addupdate_scatter(
                    cnt_tile, [idx_d[pl.ds(j * 16, 16)]], ones16)
        return carry
    lax.fori_loop(0, nk, edge_body, 0)

    plsc.subcore_barrier()

    out_base = c * NPAD + base
    for t in range(ROWS_PER_TILE // WB):
        r0 = base + t * WB
        pltpu.sync_copy(acc.at[pl.ds(r0, WB)],
                        aggs_out.at[pl.ds(out_base + t * WB, WB)])
    if with_cnt:
        pltpu.sync_copy(cnt_tile, cnt_out.at[wid])


def _make_sc_agg(with_cnt):
    mesh = plsc.VectorSubcoreMesh(core_axis_name="c", subcore_axis_name="s",
                                  num_cores=NC, num_subcores=NS)
    out_type = [jax.ShapeDtypeStruct((NC * NPAD, NFEAT), jnp.float32)]
    if with_cnt:
        out_type.append(jax.ShapeDtypeStruct((NW, NPAD), jnp.float32))
    scratch = [
        pltpu.VMEM_SHARED((NPAD, NFEAT), jnp.float32),
        pltpu.VMEM((CHUNK,), jnp.int32),
        pltpu.VMEM((CHUNK,), jnp.int32),
        pltpu.VMEM((CHUNK, NFEAT), jnp.float32),
    ]
    if with_cnt:
        scratch.append(pltpu.VMEM((NPAD,), jnp.float32))
    scratch.append(pltpu.SemaphoreType.DMA)
    return pl.kernel(functools.partial(_sc_agg_body, with_cnt),
                     out_type=out_type, mesh=mesh, scratch_types=scratch,
                     compiler_params=pltpu.CompilerParams(
                         needs_layout_passes=False))


def _tc_body(relu, a0, a1, cnt, x, wl, b, wr, out):
    agg = a0[...] + a1[...]
    deg = jnp.sum(cnt[...], axis=0)[:, None]
    mean = agg / jnp.maximum(deg, 1.0)
    h = jnp.dot(mean, wl[...], preferred_element_type=jnp.float32,
                precision=lax.Precision.HIGHEST)
    h = h + b[...] + jnp.dot(x[...], wr[...], preferred_element_type=jnp.float32,
                             precision=lax.Precision.HIGHEST)
    if relu:
        h = jnp.maximum(h, 0.0)
    out[...] = h


def _make_tc(relu):
    nblk = NPAD // BLK
    in_specs = [
        pl.BlockSpec((BLK, NFEAT), lambda i: (i, 0)),
        pl.BlockSpec((BLK, NFEAT), lambda i: (i + nblk, 0)),
        pl.BlockSpec((NW, BLK), lambda i: (0, i)),
        pl.BlockSpec((BLK, NFEAT), lambda i: (i, 0)),
        pl.BlockSpec((NFEAT, NFEAT), lambda i: (0, 0)),
        pl.BlockSpec((1, NFEAT), lambda i: (0, 0)),
        pl.BlockSpec((NFEAT, NFEAT), lambda i: (0, 0)),
    ]
    return pl.pallas_call(
        functools.partial(_tc_body, relu),
        grid=(nblk,),
        in_specs=in_specs,
        out_specs=pl.BlockSpec((BLK, NFEAT), lambda i: (i, 0)),
        out_shape=jax.ShapeDtypeStruct((NPAD, NFEAT), jnp.float32),
    )


_sc_agg_cnt = _make_sc_agg(True)
_sc_agg = _make_sc_agg(False)
_tc_layer1 = _make_tc(True)
_tc_layer2 = _make_tc(False)


def kernel(x, edge_index, W1l, b1, W1r, W2l, b2, W2r):
    x = x.astype(jnp.float32)
    ei = edge_index.astype(jnp.int32)
    src, dst = ei[0], ei[1]
    xp = jnp.pad(x, ((0, NPAD - N_NODES), (0, 0)))

    aggs1, cnt2 = _sc_agg_cnt(xp, src, dst)
    h = _tc_layer1(aggs1, aggs1, cnt2, xp,
                   W1l.T, b1.reshape(1, -1), W1r.T)
    (aggs2,) = _sc_agg(h, src, dst)
    out = _tc_layer2(aggs2, aggs2, cnt2, h,
                     W2l.T, b2.reshape(1, -1), W2r.T)
    return out[:N_NODES]

# --- scband reference (transcript-rebuilt; emitter-appended) ---
"""Pipeline reference for scband-graph-sage-37890201485515 (READ-ONLY COPY).

The authoritative reference and input builder live on the scoring server;
editing this copy changes nothing except your own understanding.
"""

import jax, jax.numpy as jnp
import numpy as np

N_NODES = 10000
N_EDGES = 320000
NFEAT = 128
NHID = 128
NCLASS = 128


def setup_inputs(seed: int = 0) -> dict:
    key = jax.random.key(seed)
    ks = jax.random.split(key, 8)
    x = jax.random.normal(ks[0], (N_NODES, NFEAT), dtype=jnp.float32)
    edge_index = jax.random.randint(ks[1], (2, N_EDGES), 0, N_NODES, dtype=jnp.int64)
    # SAGEConv params (PyG convention): lin_l applied to aggregated neighbors (with bias),
    # lin_r applied to root features (no bias).
    s1 = 1.0 / np.sqrt(NFEAT)
    s2 = 1.0 / np.sqrt(NHID)
    W1l = jax.random.uniform(ks[2], (NHID, NFEAT), jnp.float32, -s1, s1)
    b1 = jax.random.uniform(ks[3], (NHID,), jnp.float32, -s1, s1)
    W1r = jax.random.uniform(ks[4], (NHID, NFEAT), jnp.float32, -s1, s1)
    W2l = jax.random.uniform(ks[5], (NCLASS, NHID), jnp.float32, -s2, s2)
    b2 = jax.random.uniform(ks[6], (NCLASS,), jnp.float32, -s2, s2)
    W2r = jax.random.uniform(ks[7], (NCLASS, NHID), jnp.float32, -s2, s2)
    return {"x": x, "edge_index": edge_index, "W1l": W1l, "b1": b1, "W1r": W1r,
            "W2l": W2l, "b2": b2, "W2r": W2r}


def _sage_conv(x, edge_index, Wl, b, Wr):
    src = edge_index[0]
    dst = edge_index[1]
    msg = jnp.take(x, src, axis=0)                       # gather (memory-bound)
    agg = jax.ops.segment_sum(msg, dst, num_segments=x.shape[0])   # scatter-add
    cnt = jax.ops.segment_sum(jnp.ones((edge_index.shape[1],), jnp.float32),
                              dst, num_segments=x.shape[0])
    mean = agg / jnp.clip(cnt, 1.0, None)[:, None]
    return mean @ Wl.T + b + x @ Wr.T


def reference(x, edge_index, W1l, b1, W1r, W2l, b2, W2r):
    h = jax.nn.relu(_sage_conv(x, edge_index, W1l, b1, W1r))
    # dropout p=0.0 / eval mode -> identity
    out = _sage_conv(h, edge_index, W2l, b2, W2r)
    return out

if __name__ == "__main__":
    import jax
    _d = setup_inputs()
    print(jax.jit(kernel)(*tuple(_d.values())))

</pallas_src>

<mosaic_0001>
#map = affine_map<(d0, d1) -> (0, 0)>
#map1 = affine_map<(d0, d1) -> (0)>
module attributes {stable_mosaic.version = 14 : i64} {
  func.func @_sc_agg_body(%arg0: i32, %arg1: i32, %arg2: memref<10240x128xf32, #tpu.memory_space<hbm>>, %arg3: memref<320000xi32, #tpu.memory_space<hbm>>, %arg4: memref<320000xi32, #tpu.memory_space<hbm>>, %arg5: memref<20480x128xf32, #tpu.memory_space<hbm>>, %arg6: memref<32x10240xf32, #tpu.memory_space<hbm>>, %arg7: memref<10240x128xf32, #tpu.memory_space<vmem_shared>>, %arg8: memref<128xi32, #tpu.memory_space<vmem>>, %arg9: memref<128xi32, #tpu.memory_space<vmem>>, %arg10: memref<128x128xf32, #tpu.memory_space<vmem>>, %arg11: memref<10240xf32, #tpu.memory_space<vmem>>, %arg12: memref<!tpu.dma_semaphore, #tpu.memory_space<semaphore_mem>>) attributes {dimension_semantics = [#tpu.dimension_semantics<core_parallel>, #tpu.dimension_semantics<subcore_parallel>], iteration_bounds = array<i64: 2, 16>, scalar_prefetch = 0 : i64, scratch_operands = 6 : i64, tpu.core_type = #tpu.core_type<sc_vector_subcore>, window_params = [{transform_indices = #map}, {transform_indices = #map1}, {transform_indices = #map1}, {transform_indices = #map}, {transform_indices = #map}]} {
    %mul3A = arith.constant 16 : i32
    %mul3A_0 = arith.muli %arg0, %mul3A : i32
    %add3A = arith.addi %mul3A_0, %arg1 : i32
    %mul3A_1 = arith.constant 640 : i32
    %mul3A_2 = arith.muli %arg1, %mul3A_1 : i32
    %scan3A = arith.constant 0 : i32
    %scan3A_3 = arith.constant 0 : i32
    %scan3A_4 = arith.constant 128 : i32
    %scan3A_5 = arith.addi %scan3A_3, %scan3A_4 : i32
    %scan3A_6 = arith.constant 1 : i32
    scf.for %scan3A_79 = %scan3A_3 to %scan3A_5 step %scan3A_6  : i32 {
      %broadcast_in_dim3A = arith.constant 0.000000e+00 : f32
      %broadcast_in_dim3A_80 = vector.broadcast %broadcast_in_dim3A : f32 to vector<16xf32>
      %swap3A = arith.index_cast %scan3A_79 : i32 to index
      %swap3A_81 = arith.constant 0 : index
      %swap3A_82 = tpu.vector_load %arg10[%swap3A, %swap3A_81] {strides = array<i32>} : memref<128x128xf32, #tpu.memory_space<vmem>>, vector<16xf32>,
      tpu.vector_store %arg10[%swap3A, %swap3A_81], %broadcast_in_dim3A_80 {strides = array<i32>} : memref<128x128xf32, #tpu.memory_space<vmem>>, vector<16xf32>,
      %broadcast_in_dim3A_83 = arith.constant 0.000000e+00 : f32
      %broadcast_in_dim3A_84 = vector.broadcast %broadcast_in_dim3A_83 : f32 to vector<16xf32>
      %swap3A_85 = arith.index_cast %scan3A_79 : i32 to index
      %swap3A_86 = arith.constant 16 : index
      %swap3A_87 = tpu.vector_load %arg10[%swap3A_85, %swap3A_86] {strides = array<i32>} : memref<128x128xf32, #tpu.memory_space<vmem>>, vector<16xf32>,
      tpu.vector_store %arg10[%swap3A_85, %swap3A_86], %broadcast_in_dim3A_84 {strides = array<i32>} : memref<128x128xf32, #tpu.memory_space<vmem>>, vector<16xf32>,
      %broadcast_in_dim3A_88 = arith.constant 0.000000e+00 : f32
      %broadcast_in_dim3A_89 = vector.broadcast %broadcast_in_dim3A_88 : f32 to vector<16xf32>
      %swap3A_90 = arith.index_cast %scan3A_79 : i32 to index
      %swap3A_91 = arith.constant 32 : index
      %swap3A_92 = tpu.vector_load %arg10[%swap3A_90, %swap3A_91] {strides = array<i32>} : memref<128x128xf32, #tpu.memory_space<vmem>>, vector<16xf32>,
      tpu.vector_store %arg10[%swap3A_90, %swap3A_91], %broadcast_in_dim3A_89 {strides = array<i32>} : memref<128x128xf32, #tpu.memory_space<vmem>>, vector<16xf32>,
      %broadcast_in_dim3A_93 = arith.constant 0.000000e+00 : f32
      %broadcast_in_dim3A_94 = vector.broadcast %broadcast_in_dim3A_93 : f32 to vector<16xf32>
      %swap3A_95 = arith.index_cast %scan3A_79 : i32 to index
      %swap3A_96 = arith.constant 48 : index
      %swap3A_97 = tpu.vector_load %arg10[%swap3A_95, %swap3A_96] {strides = array<i32>} : memref<128x128xf32, #tpu.memory_space<vmem>>, vector<16xf32>,
      tpu.vector_store %arg10[%swap3A_95, %swap3A_96], %broadcast_in_dim3A_94 {strides = array<i32>} : memref<128x128xf32, #tpu.memory_space<vmem>>, vector<16xf32>,
      %broadcast_in_dim3A_98 = arith.constant 0.000000e+00 : f32
      %broadcast_in_dim3A_99 = vector.broadcast %broadcast_in_dim3A_98 : f32 to vector<16xf32>
      %swap3A_100 = arith.index_cast %scan3A_79 : i32 to index
      %swap3A_101 = arith.constant 64 : index
      %swap3A_102 = tpu.vector_load %arg10[%swap3A_100, %swap3A_101] {strides = array<i32>} : memref<128x128xf32, #tpu.memory_space<vmem>>, vector<16xf32>,
      tpu.vector_store %arg10[%swap3A_100, %swap3A_101], %broadcast_in_dim3A_99 {strides = array<i32>} : memref<128x128xf32, #tpu.memory_space<vmem>>, vector<16xf32>,
      %broadcast_in_dim3A_103 = arith.constant 0.000000e+00 : f32
      %broadcast_in_dim3A_104 = vector.broadcast %broadcast_in_dim3A_103 : f32 to vector<16xf32>
      %swap3A_105 = arith.index_cast %scan3A_79 : i32 to index
      %swap3A_106 = arith.constant 80 : index
      %swap3A_107 = tpu.vector_load %arg10[%swap3A_105, %swap3A_106] {strides = array<i32>} : memref<128x128xf32, #tpu.memory_space<vmem>>, vector<16xf32>,
      tpu.vector_store %arg10[%swap3A_105, %swap3A_106], %broadcast_in_dim3A_104 {strides = array<i32>} : memref<128x128xf32, #tpu.memory_space<vmem>>, vector<16xf32>,
      %broadcast_in_dim3A_108 = arith.constant 0.000000e+00 : f32
      %broadcast_in_dim3A_109 = vector.broadcast %broadcast_in_dim3A_108 : f32 to vector<16xf32>
      %swap3A_110 = arith.index_cast %scan3A_79 : i32 to index
      %swap3A_111 = arith.constant 96 : index
      %swap3A_112 = tpu.vector_load %arg10[%swap3A_110, %swap3A_111] {strides = array<i32>} : memref<128x128xf32, #tpu.memory_space<vmem>>, vector<16xf32>,
      tpu.vector_store %arg10[%swap3A_110, %swap3A_111], %broadcast_in_dim3A_109 {strides = array<i32>} : memref<128x128xf32, #tpu.memory_space<vmem>>, vector<16xf32>,
      %broadcast_in_dim3A_113 = arith.constant 0.000000e+00 : f32
      %broadcast_in_dim3A_114 = vector.broadcast %broadcast_in_dim3A_113 : f32 to vector<16xf32>
      %swap3A_115 = arith.index_cast %scan3A_79 : i32 to index
      %swap3A_116 = arith.constant 112 : index
      %swap3A_117 = tpu.vector_load %arg10[%swap3A_115, %swap3A_116] {strides = array<i32>} : memref<128x128xf32, #tpu.memory_space<vmem>>, vector<16xf32>,
      tpu.vector_store %arg10[%swap3A_115, %swap3A_116], %broadcast_in_dim3A_114 {strides = array<i32>} : memref<128x128xf32, #tpu.memory_space<vmem>>, vector<16xf32>,
    }
    %scan3A_7 = arith.constant 128 : i32
    %scan3A_8 = arith.constant 0 : i32
    %scan3A_9 = arith.constant 0 : i32
    %scan3A_10 = arith.constant 640 : i32
    %scan3A_11 = arith.addi %scan3A_9, %scan3A_10 : i32
    %scan3A_12 = arith.constant 1 : i32
    scf.for %scan3A_79 = %scan3A_9 to %scan3A_11 step %scan3A_12  : i32 {
      %broadcast_in_dim3A = arith.constant 0.000000e+00 : f32
      %broadcast_in_dim3A_80 = vector.broadcast %broadcast_in_dim3A : f32 to vector<16xf32>
      %mul3A_81 = arith.constant 16 : i32
      %mul3A_82 = arith.muli %scan3A_79, %mul3A_81 : i32
      %swap3A = arith.index_cast %mul3A_82 : i32 to index
      %swap3A_83 = tpu.vector_load %arg11[%swap3A] {strides = array<i32>} : memref<10240xf32, #tpu.memory_space<vmem>>, vector<16xf32>,
      tpu.vector_store %arg11[%swap3A], %broadcast_in_dim3A_80 {strides = array<i32>} : memref<10240xf32, #tpu.memory_space<vmem>>, vector<16xf32>,
    }
    %scan3A_13 = arith.constant 640 : i32
    %add3A_14 = arith.constant 0 : i32
    %add3A_15 = arith.addi %mul3A_2, %add3A_14 : i32
    "tpu.region"() ({
      %run_scoped3A = tpu.sem_alloc : memref<!tpu.dma_semaphore, #tpu.memory_space<semaphore_mem>>
      %dma_start3A = arith.constant 0 : i32
      %dma_start3A_79 = arith.constant 0 : i32
      %dma_start3A_80 = tpu.memref_slice %arg10[%dma_start3A, %dma_start3A_79] : memref<128x128xf32, #tpu.memory_space<vmem>> -> memref<128x128xf32, #tpu.memory_space<vmem>>
      %dma_start3A_81 = arith.constant 0 : i32
      %dma_start3A_82 = tpu.memref_slice %arg7[%add3A_15, %dma_start3A_81] : memref<10240x128xf32, #tpu.memory_space<vmem_shared>> -> memref<128x128xf32, #tpu.memory_space<vmem_shared>>
      %dma_start3A_83 = arith.constant 0 : i32
      %dma_start3A_84 = tpu.memref_slice %arg7[%add3A_15, %dma_start3A_83] : memref<10240x128xf32, #tpu.memory_space<vmem_shared>> -> memref<128x128xf32, #tpu.memory_space<vmem_shared>>
      %dma_start3A_85 = arith.constant 0 : i32
      %dma_start3A_86 = arith.constant 0 : i32
      %dma_start3A_87 = tpu.memref_slice %arg10[%dma_start3A_85, %dma_start3A_86] : memref<128x128xf32, #tpu.memory_space<vmem>> -> memref<128x128xf32, #tpu.memory_space<vmem>>
      tpu.enqueue_dma source(%dma_start3A_87 : memref<128x128xf32, #tpu.memory_space<vmem>>) target(%dma_start3A_84 : memref<128x128xf32, #tpu.memory_space<vmem_shared>>) target_semaphore(%run_scoped3A : memref<!tpu.dma_semaphore, #tpu.memory_space<semaphore_mem>>)
      %dma_wait3A = arith.constant 0 : i32
      %dma_wait3A_88 = arith.constant 0 : i32
      %dma_wait3A_89 = tpu.memref_slice %arg10[%dma_wait3A, %dma_wait3A_88] : memref<128x128xf32, #tpu.memory_space<vmem>> -> memref<128x128xf32, #tpu.memory_space<vmem>>
      %dma_wait3A_90 = arith.constant 0 : i32
      %dma_wait3A_91 = tpu.memref_slice %arg7[%add3A_15, %dma_wait3A_90] : memref<10240x128xf32, #tpu.memory_space<vmem_shared>> -> memref<128x128xf32, #tpu.memory_space<vmem_shared>>
      %dma_wait3A_92 = arith.constant 0 : i32
      %dma_wait3A_93 = tpu.memref_slice %arg7[%add3A_15, %dma_wait3A_92] : memref<10240x128xf32, #tpu.memory_space<vmem_shared>> -> memref<128x128xf32, #tpu.memory_space<vmem_shared>>
      %dma_wait3A_94 = arith.constant 0 : i32
      %dma_wait3A_95 = arith.constant 0 : i32
      %dma_wait3A_96 = tpu.memref_slice %arg10[%dma_wait3A_94, %dma_wait3A_95] : memref<128x128xf32, #tpu.memory_space<vmem>> -> memref<128x128xf32, #tpu.memory_space<vmem>>
      tpu.wait_dma2 semaphore(%run_scoped3A : memref<!tpu.dma_semaphore, #tpu.memory_space<semaphore_mem>>) src(%dma_wait3A_96 : memref<128x128xf32, #tpu.memory_space<vmem>>) dst(%dma_wait3A_93 : memref<128x128xf32, #tpu.memory_space<vmem_shared>>)
      tpu.yield
    }) : () -> ()
    %add3A_16 = arith.constant 128 : i32
    %add3A_17 = arith.addi %mul3A_2, %add3A_16 : i32
    "tpu.region"() ({
      %run_scoped3A = tpu.sem_alloc : memref<!tpu.dma_semaphore, #tpu.memory_space<semaphore_mem>>
      %dma_start3A = arith.constant 0 : i32
      %dma_start3A_79 = arith.constant 0 : i32
      %dma_start3A_80 = tpu.memref_slice %arg10[%dma_start3A, %dma_start3A_79] : memref<128x128xf32, #tpu.memory_space<vmem>> -> memref<128x128xf32, #tpu.memory_space<vmem>>
      %dma_start3A_81 = arith.constant 0 : i32
      %dma_start3A_82 = tpu.memref_slice %arg7[%add3A_17, %dma_start3A_81] : memref<10240x128xf32, #tpu.memory_space<vmem_shared>> -> memref<128x128xf32, #tpu.memory_space<vmem_shared>>
      %dma_start3A_83 = arith.constant 0 : i32
      %dma_start3A_84 = tpu.memref_slice %arg7[%add3A_17, %dma_start3A_83] : memref<10240x128xf32, #tpu.memory_space<vmem_shared>> -> memref<128x128xf32, #tpu.memory_space<vmem_shared>>
      %dma_start3A_85 = arith.constant 0 : i32
      %dma_start3A_86 = arith.constant 0 : i32
      %dma_start3A_87 = tpu.memref_slice %arg10[%dma_start3A_85, %dma_start3A_86] : memref<128x128xf32, #tpu.memory_space<vmem>> -> memref<128x128xf32, #tpu.memory_space<vmem>>
      tpu.enqueue_dma source(%dma_start3A_87 : memref<128x128xf32, #tpu.memory_space<vmem>>) target(%dma_start3A_84 : memref<128x128xf32, #tpu.memory_space<vmem_shared>>) target_semaphore(%run_scoped3A : memref<!tpu.dma_semaphore, #tpu.memory_space<semaphore_mem>>)
      %dma_wait3A = arith.constant 0 : i32
      %dma_wait3A_88 = arith.constant 0 : i32
      %dma_wait3A_89 = tpu.memref_slice %arg10[%dma_wait3A, %dma_wait3A_88] : memref<128x128xf32, #tpu.memory_space<vmem>> -> memref<128x128xf32, #tpu.memory_space<vmem>>
      %dma_wait3A_90 = arith.constant 0 : i32
      %dma_wait3A_91 = tpu.memref_slice %arg7[%add3A_17, %dma_wait3A_90] : memref<10240x128xf32, #tpu.memory_space<vmem_shared>> -> memref<128x128xf32, #tpu.memory_space<vmem_shared>>
      %dma_wait3A_92 = arith.constant 0 : i32
      %dma_wait3A_93 = tpu.memref_slice %arg7[%add3A_17, %dma_wait3A_92] : memref<10240x128xf32, #tpu.memory_space<vmem_shared>> -> memref<128x128xf32, #tpu.memory_space<vmem_shared>>
      %dma_wait3A_94 = arith.constant 0 : i32
      %dma_wait3A_95 = arith.constant 0 : i32
      %dma_wait3A_96 = tpu.memref_slice %arg10[%dma_wait3A_94, %dma_wait3A_95] : memref<128x128xf32, #tpu.memory_space<vmem>> -> memref<128x128xf32, #tpu.memory_space<vmem>>
      tpu.wait_dma2 semaphore(%run_scoped3A : memref<!tpu.dma_semaphore, #tpu.memory_space<semaphore_mem>>) src(%dma_wait3A_96 : memref<128x128xf32, #tpu.memory_space<vmem>>) dst(%dma_wait3A_93 : memref<128x128xf32, #tpu.memory_space<vmem_shared>>)
      tpu.yield
    }) : () -> ()
    %add3A_18 = arith.constant 256 : i32
    %add3A_19 = arith.addi %mul3A_2, %add3A_18 : i32
    "tpu.region"() ({
      %run_scoped3A = tpu.sem_alloc : memref<!tpu.dma_semaphore, #tpu.memory_space<semaphore_mem>>
      %dma_start3A = arith.constant 0 : i32
      %dma_start3A_79 = arith.constant 0 : i32
      %dma_start3A_80 = tpu.memref_slice %arg10[%dma_start3A, %dma_start3A_79] : memref<128x128xf32, #tpu.memory_space<vmem>> -> memref<128x128xf32, #tpu.memory_space<vmem>>
      %dma_start3A_81 = arith.constant 0 : i32
      %dma_start3A_82 = tpu.memref_slice %arg7[%add3A_19, %dma_start3A_81] : memref<10240x128xf32, #tpu.memory_space<vmem_shared>> -> memref<128x128xf32, #tpu.memory_space<vmem_shared>>
      %dma_start3A_83 = arith.constant 0 : i32
      %dma_start3A_84 = tpu.memref_slice %arg7[%add3A_19, %dma_start3A_83] : memref<10240x128xf32, #tpu.memory_space<vmem_shared>> -> memref<128x128xf32, #tpu.memory_space<vmem_shared>>
      %dma_start3A_85 = arith.constant 0 : i32
      %dma_start3A_86 = arith.constant 0 : i32
      %dma_start3A_87 = tpu.memref_slice %arg10[%dma_start3A_85, %dma_start3A_86] : memref<128x128xf32, #tpu.memory_space<vmem>> -> memref<128x128xf32, #tpu.memory_space<vmem>>
      tpu.enqueue_dma source(%dma_start3A_87 : memref<128x128xf32, #tpu.memory_space<vmem>>) target(%dma_start3A_84 : memref<128x128xf32, #tpu.memory_space<vmem_shared>>) target_semaphore(%run_scoped3A : memref<!tpu.dma_semaphore, #tpu.memory_space<semaphore_mem>>)
      %dma_wait3A = arith.constant 0 : i32
      %dma_wait3A_88 = arith.constant 0 : i32
      %dma_wait3A_89 = tpu.memref_slice %arg10[%dma_wait3A, %dma_wait3A_88] : memref<128x128xf32, #tpu.memory_space<vmem>> -> memref<128x128xf32, #tpu.memory_space<vmem>>
      %dma_wait3A_90 = arith.constant 0 : i32
      %dma_wait3A_91 = tpu.memref_slice %arg7[%add3A_19, %dma_wait3A_90] : memref<10240x128xf32, #tpu.memory_space<vmem_shared>> -> memref<128x128xf32, #tpu.memory_space<vmem_shared>>
      %dma_wait3A_92 = arith.constant 0 : i32
      %dma_wait3A_93 = tpu.memref_slice %arg7[%add3A_19, %dma_wait3A_92] : memref<10240x128xf32, #tpu.memory_space<vmem_shared>> -> memref<128x128xf32, #tpu.memory_space<vmem_shared>>
      %dma_wait3A_94 = arith.constant 0 : i32
      %dma_wait3A_95 = arith.constant 0 : i32
      %dma_wait3A_96 = tpu.memref_slice %arg10[%dma_wait3A_94, %dma_wait3A_95] : memref<128x128xf32, #tpu.memory_space<vmem>> -> memref<128x128xf32, #tpu.memory_space<vmem>>
      tpu.wait_dma2 semaphore(%run_scoped3A : memref<!tpu.dma_semaphore, #tpu.memory_space<semaphore_mem>>) src(%dma_wait3A_96 : memref<128x128xf32, #tpu.memory_space<vmem>>) dst(%dma_wait3A_93 : memref<128x128xf32, #tpu.memory_space<vmem_shared>>)
      tpu.yield
    }) : () -> ()
    %add3A_20 = arith.constant 384 : i32
    %add3A_21 = arith.addi %mul3A_2, %add3A_20 : i32
    "tpu.region"() ({
      %run_scoped3A = tpu.sem_alloc : memref<!tpu.dma_semaphore, #tpu.memory_space<semaphore_mem>>
      %dma_start3A = arith.constant 0 : i32
      %dma_start3A_79 = arith.constant 0 : i32
      %dma_start3A_80 = tpu.memref_slice %arg10[%dma_start3A, %dma_start3A_79] : memref<128x128xf32, #tpu.memory_space<vmem>> -> memref<128x128xf32, #tpu.memory_space<vmem>>
      %dma_start3A_81 = arith.constant 0 : i32
      %dma_start3A_82 = tpu.memref_slice %arg7[%add3A_21, %dma_start3A_81] : memref<10240x128xf32, #tpu.memory_space<vmem_shared>> -> memref<128x128xf32, #tpu.memory_space<vmem_shared>>
      %dma_start3A_83 = arith.constant 0 : i32
      %dma_start3A_84 = tpu.memref_slice %arg7[%add3A_21, %dma_start3A_83] : memref<10240x128xf32, #tpu.memory_space<vmem_shared>> -> memref<128x128xf32, #tpu.memory_space<vmem_shared>>
      %dma_start3A_85 = arith.constant 0 : i32
      %dma_start3A_86 = arith.constant 0 : i32
      %dma_start3A_87 = tpu.memref_slice %arg10[%dma_start3A_85, %dma_start3A_86] : memref<128x128xf32, #tpu.memory_space<vmem>> -> memref<128x128xf32, #tpu.memory_space<vmem>>
      tpu.enqueue_dma source(%dma_start3A_87 : memref<128x128xf32, #tpu.memory_space<vmem>>) target(%dma_start3A_84 : memref<128x128xf32, #tpu.memory_space<vmem_shared>>) target_semaphore(%run_scoped3A : memref<!tpu.dma_semaphore, #tpu.memory_space<semaphore_mem>>)
      %dma_wait3A = arith.constant 0 : i32
      %dma_wait3A_88 = arith.constant 0 : i32
      %dma_wait3A_89 = tpu.memref_slice %arg10[%dma_wait3A, %dma_wait3A_88] : memref<128x128xf32, #tpu.memory_space<vmem>> -> memref<128x128xf32, #tpu.memory_space<vmem>>
      %dma_wait3A_90 = arith.constant 0 : i32
      %dma_wait3A_91 = tpu.memref_slice %arg7[%add3A_21, %dma_wait3A_90] : memref<10240x128xf32, #tpu.memory_space<vmem_shared>> -> memref<128x128xf32, #tpu.memory_space<vmem_shared>>
      %dma_wait3A_92 = arith.constant 0 : i32
      %dma_wait3A_93 = tpu.memref_slice %arg7[%add3A_21, %dma_wait3A_92] : memref<10240x128xf32, #tpu.memory_space<vmem_shared>> -> memref<128x128xf32, #tpu.memory_space<vmem_shared>>
      %dma_wait3A_94 = arith.constant 0 : i32
      %dma_wait3A_95 = arith.constant 0 : i32
      %dma_wait3A_96 = tpu.memref_slice %arg10[%dma_wait3A_94, %dma_wait3A_95] : memref<128x128xf32, #tpu.memory_space<vmem>> -> memref<128x128xf32, #tpu.memory_space<vmem>>
      tpu.wait_dma2 semaphore(%run_scoped3A : memref<!tpu.dma_semaphore, #tpu.memory_space<semaphore_mem>>) src(%dma_wait3A_96 : memref<128x128xf32, #tpu.memory_space<vmem>>) dst(%dma_wait3A_93 : memref<128x128xf32, #tpu.memory_space<vmem_shared>>)
      tpu.yield
    }) : () -> ()
    %add3A_22 = arith.constant 512 : i32
    %add3A_23 = arith.addi %mul3A_2, %add3A_22 : i32
    "tpu.region"() ({
      %run_scoped3A = tpu.sem_alloc : memref<!tpu.dma_semaphore, #tpu.memory_space<semaphore_mem>>
      %dma_start3A = arith.constant 0 : i32
      %dma_start3A_79 = arith.constant 0 : i32
      %dma_start3A_80 = tpu.memref_slice %arg10[%dma_start3A, %dma_start3A_79] : memref<128x128xf32, #tpu.memory_space<vmem>> -> memref<128x128xf32, #tpu.memory_space<vmem>>
      %dma_start3A_81 = arith.constant 0 : i32
      %dma_start3A_82 = tpu.memref_slice %arg7[%add3A_23, %dma_start3A_81] : memref<10240x128xf32, #tpu.memory_space<vmem_shared>> -> memref<128x128xf32, #tpu.memory_space<vmem_shared>>
      %dma_start3A_83 = arith.constant 0 : i32
      %dma_start3A_84 = tpu.memref_slice %arg7[%add3A_23, %dma_start3A_83] : memref<10240x128xf32, #tpu.memory_space<vmem_shared>> -> memref<128x128xf32, #tpu.memory_space<vmem_shared>>
      %dma_start3A_85 = arith.constant 0 : i32
      %dma_start3A_86 = arith.constant 0 : i32
      %dma_start3A_87 = tpu.memref_slice %arg10[%dma_start3A_85, %dma_start3A_86] : memref<128x128xf32, #tpu.memory_space<vmem>> -> memref<128x128xf32, #tpu.memory_space<vmem>>
      tpu.enqueue_dma source(%dma_start3A_87 : memref<128x128xf32, #tpu.memory_space<vmem>>) target(%dma_start3A_84 : memref<128x128xf32, #tpu.memory_space<vmem_shared>>) target_semaphore(%run_scoped3A : memref<!tpu.dma_semaphore, #tpu.memory_space<semaphore_mem>>)
      %dma_wait3A = arith.constant 0 : i32
      %dma_wait3A_88 = arith.constant 0 : i32
      %dma_wait3A_89 = tpu.memref_slice %arg10[%dma_wait3A, %dma_wait3A_88] : memref<128x128xf32, #tpu.memory_space<vmem>> -> memref<128x128xf32, #tpu.memory_space<vmem>>
      %dma_wait3A_90 = arith.constant 0 : i32
      %dma_wait3A_91 = tpu.memref_slice %arg7[%add3A_23, %dma_wait3A_90] : memref<10240x128xf32, #tpu.memory_space<vmem_shared>> -> memref<128x128xf32, #tpu.memory_space<vmem_shared>>
      %dma_wait3A_92 = arith.constant 0 : i32
      %dma_wait3A_93 = tpu.memref_slice %arg7[%add3A_23, %dma_wait3A_92] : memref<10240x128xf32, #tpu.memory_space<vmem_shared>> -> memref<128x128xf32, #tpu.memory_space<vmem_shared>>
      %dma_wait3A_94 = arith.constant 0 : i32
      %dma_wait3A_95 = arith.constant 0 : i32
      %dma_wait3A_96 = tpu.memref_slice %arg10[%dma_wait3A_94, %dma_wait3A_95] : memref<128x128xf32, #tpu.memory_space<vmem>> -> memref<128x128xf32, #tpu.memory_space<vmem>>
      tpu.wait_dma2 semaphore(%run_scoped3A : memref<!tpu.dma_semaphore, #tpu.memory_space<semaphore_mem>>) src(%dma_wait3A_96 : memref<128x128xf32, #tpu.memory_space<vmem>>) dst(%dma_wait3A_93 : memref<128x128xf32, #tpu.memory_space<vmem_shared>>)
      tpu.yield
    }) : () -> ()
    %barrier3A = arith.constant 0 : index
    tpu.barrier barrier_id(%barrier3A)
    %sub3A = arith.constant 2500 : i32
    %sub3A_24 = arith.subi %sub3A, %add3A : i32
    %add3A_25 = arith.constant 32 : i32
    %add3A_26 = arith.addi %sub3A_24, %add3A_25 : i32
    %sub3A_27 = arith.constant 1 : i32
    %sub3A_28 = arith.subi %add3A_26, %sub3A_27 : i32
    %jit3A = arith.constant 32 : i32
    %div3A = arith.divsi %sub3A_28, %jit3A : i32
    %sign3A = arith.constant 0 : i32
    %sign3A_29 = arith.cmpi sgt, %sub3A_28, %sign3A : i32
    %sign3A_30 = arith.extui %sign3A_29 : i1 to i32
    %sign3A_31 = arith.constant 0 : i32
    %sign3A_32 = arith.cmpi slt, %sub3A_28, %sign3A_31 : i32
    %sign3A_33 = arith.extui %sign3A_32 : i1 to i32
    %sign3A_34 = arith.subi %sign3A_30, %sign3A_33 : i32
    %sign3A_35 = arith.constant 0 : i32
    %sign3A_36 = arith.cmpi sgt, %jit3A, %sign3A_35 : i32
    %sign3A_37 = arith.extui %sign3A_36 : i1 to i32
    %sign3A_38 = arith.constant 0 : i32
    %sign3A_39 = arith.cmpi slt, %jit3A, %sign3A_38 : i32
    %sign3A_40 = arith.extui %sign3A_39 : i1 to i32
    %sign3A_41 = arith.subi %sign3A_37, %sign3A_40 : i32
    %ne3A = arith.cmpi ne, %sign3A_34, %sign3A_41 : i32
    %rem3A = arith.remsi %sub3A_28, %jit3A : i32
    %ne3A_42 = arith.constant 0 : i32
    %ne3A_43 = arith.cmpi ne, %rem3A, %ne3A_42 : i32
    %and3A = arith.andi %ne3A, %ne3A_43 : i1
    %sub3A_44 = arith.constant 1 : i32
    %sub3A_45 = arith.subi %div3A, %sub3A_44 : i32
    %select_n3A = arith.select %and3A, %sub3A_45, %div3A : i32
    %while3A = arith.constant 0 : i32
    %while3A_46 = arith.constant 0 : i32
    %while3A_47 = arith.subi %select_n3A, %while3A_46 : i32
    %while3A_48 = arith.addi %while3A_46, %while3A_47 : i32
    %while3A_49 = arith.constant 1 : i32
    %while3A_50 = arith.divsi %while3A_47, %while3A_49 : i32
    %while3A_51 = arith.muli %while3A_50, %while3A_49 : i32
    %while3A_52 = arith.addi %while3A_46, %while3A_51 : i32
    %while3A_53 = arith.constant 1 : i32
    scf.for %while3A_79 = %while3A_46 to %while3A_52 step %while3A_53  : i32 {
      %mul3A_80 = arith.constant 32 : i32
      %mul3A_81 = arith.muli %while3A_79, %mul3A_80 : i32
      %add3A_82 = arith.addi %add3A, %mul3A_81 : i32
      %mul3A_83 = arith.constant 128 : i32
      %mul3A_84 = arith.muli %add3A_82, %mul3A_83 : i32
      "tpu.region"() ({
        %run_scoped3A = tpu.sem_alloc : memref<!tpu.dma_semaphore, #tpu.memory_space<semaphore_mem>>
        %dma_start3A_105 = tpu.memref_slice %arg3[%mul3A_84] : memref<320000xi32, #tpu.memory_space<hbm>> -> memref<128xi32, #tpu.memory_space<hbm>>
        %dma_start3A_106 = tpu.memref_slice %arg3[%mul3A_84] : memref<320000xi32, #tpu.memory_space<hbm>> -> memref<128xi32, #tpu.memory_space<hbm>>
        tpu.enqueue_dma source(%dma_start3A_106 : memref<128xi32, #tpu.memory_space<hbm>>) target(%arg8 : memref<128xi32, #tpu.memory_space<vmem>>) target_semaphore(%run_scoped3A : memref<!tpu.dma_semaphore, #tpu.memory_space<semaphore_mem>>)
        %dma_wait3A_107 = tpu.memref_slice %arg3[%mul3A_84] : memref<320000xi32, #tpu.memory_space<hbm>> -> memref<128xi32, #tpu.memory_space<hbm>>
        %dma_wait3A_108 = tpu.memref_slice %arg3[%mul3A_84] : memref<320000xi32, #tpu.memory_space<hbm>> -> memref<128xi32, #tpu.memory_space<hbm>>
        tpu.wait_dma2 semaphore(%run_scoped3A : memref<!tpu.dma_semaphore, #tpu.memory_space<semaphore_mem>>) src(%dma_wait3A_108 : memref<128xi32, #tpu.memory_space<hbm>>) dst(%arg8 : memref<128xi32, #tpu.memory_space<vmem>>)
        tpu.yield
      }) : () -> ()
      "tpu.region"() ({
        %run_scoped3A = tpu.sem_alloc : memref<!tpu.dma_semaphore, #tpu.memory_space<semaphore_mem>>
        %dma_start3A_105 = tpu.memref_slice %arg4[%mul3A_84] : memref<320000xi32, #tpu.memory_space<hbm>> -> memref<128xi32, #tpu.memory_space<hbm>>
        %dma_start3A_106 = tpu.memref_slice %arg4[%mul3A_84] : memref<320000xi32, #tpu.memory_space<hbm>> -> memref<128xi32, #tpu.memory_space<hbm>>
        tpu.enqueue_dma source(%dma_start3A_106 : memref<128xi32, #tpu.memory_space<hbm>>) target(%arg9 : memref<128xi32, #tpu.memory_space<vmem>>) target_semaphore(%run_scoped3A : memref<!tpu.dma_semaphore, #tpu.memory_space<semaphore_mem>>)
        %dma_wait3A_107 = tpu.memref_slice %arg4[%mul3A_84] : memref<320000xi32, #tpu.memory_space<hbm>> -> memref<128xi32, #tpu.memory_space<hbm>>
        %dma_wait3A_108 = tpu.memref_slice %arg4[%mul3A_84] : memref<320000xi32, #tpu.memory_space<hbm>> -> memref<128xi32, #tpu.memory_space<hbm>>
        tpu.wait_dma2 semaphore(%run_scoped3A : memref<!tpu.dma_semaphore, #tpu.memory_space<semaphore_mem>>) src(%dma_wait3A_108 : memref<128xi32, #tpu.memory_space<hbm>>) dst(%arg9 : memref<128xi32, #tpu.memory_space<vmem>>)
        tpu.yield
      }) : () -> ()
      %dma_start3A = arith.constant 0 : i32
      %dma_start3A_85 = arith.constant 0 : i32
      %dma_start3A_86 = tpu.memref_slice %arg2[%dma_start3A, %dma_start3A_85] : memref<10240x128xf32, #tpu.memory_space<hbm>> -> memref<10240x128xf32, #tpu.memory_space<hbm>>
      tpu.enqueue_indirect_dma source(%dma_start3A_86 : memref<10240x128xf32, #tpu.memory_space<hbm>>) target(%arg10 : memref<128x128xf32, #tpu.memory_space<vmem>>) offsets(%arg8 : memref<128xi32, #tpu.memory_space<vmem>>) semaphore(%arg12 : memref<!tpu.dma_semaphore, #tpu.memory_space<semaphore_mem>>)
      %dma_wait3A = arith.constant 0 : i32
      %dma_wait3A_87 = arith.constant 0 : i32
      %dma_wait3A_88 = tpu.memref_slice %arg2[%dma_wait3A, %dma_wait3A_87] : memref<10240x128xf32, #tpu.memory_space<hbm>> -> memref<10240x128xf32, #tpu.memory_space<hbm>>
      tpu.wait_indirect_dma semaphore(%arg12 : memref<!tpu.dma_semaphore, #tpu.memory_space<semaphore_mem>>) src(%dma_wait3A_88 : memref<10240x128xf32, #tpu.memory_space<hbm>>) dst(%arg10 : memref<128x128xf32, #tpu.memory_space<vmem>>)
      "tpu.region"() ({
        %run_scoped3A = tpu.sem_alloc : memref<!tpu.dma_semaphore, #tpu.memory_space<semaphore_mem>>
        %dma_start3A_105 = arith.constant 0 : i32
        %dma_start3A_106 = arith.constant 0 : i32
        %dma_start3A_107 = tpu.memref_slice %arg7[%dma_start3A_105, %dma_start3A_106] : memref<10240x128xf32, #tpu.memory_space<vmem_shared>> -> memref<10240x128xf32, #tpu.memory_space<vmem_shared>>
        tpu.enqueue_indirect_dma source(%arg10 : memref<128x128xf32, #tpu.memory_space<vmem>>) target(%dma_start3A_107 : memref<10240x128xf32, #tpu.memory_space<vmem_shared>>) offsets(%arg9 : memref<128xi32, #tpu.memory_space<vmem>>) semaphore(%run_scoped3A : memref<!tpu.dma_semaphore, #tpu.memory_space<semaphore_mem>>) {add = true}
        %dma_wait3A_108 = arith.constant 0 : i32
        %dma_wait3A_109 = arith.constant 0 : i32
        %dma_wait3A_110 = tpu.memref_slice %arg7[%dma_wait3A_108, %dma_wait3A_109] : memref<10240x128xf32, #tpu.memory_space<vmem_shared>> -> memref<10240x128xf32, #tpu.memory_space<vmem_shared>>
        tpu.wait_indirect_dma semaphore(%run_scoped3A : memref<!tpu.dma_semaphore, #tpu.memory_space<semaphore_mem>>) src(%arg10 : memref<128x128xf32, #tpu.memory_space<vmem>>) dst(%dma_wait3A_110 : memref<10240x128xf32, #tpu.memory_space<vmem_shared>>)
        tpu.yield
      }) : () -> ()
      %broadcast_in_dim3A = arith.constant 1.000000e+00 : f32
      %broadcast_in_dim3A_89 = vector.broadcast %broadcast_in_dim3A : f32 to vector<16xf32>
      %get3A = arith.constant 0 : index
      %get3A_90 = tpu.vector_load %arg9[%get3A] {strides = array<i32>} : memref<128xi32, #tpu.memory_space<vmem>>, vector<16xi32>,
      tpu.vector_store_idx %arg11[%get3A_90], %broadcast_in_dim3A_89 {add = true} : memref<10240xf32, #tpu.memory_space<vmem>>[vector<16xi32>], vector<16xf32>,
      %get3A_91 = arith.constant 16 : index
      %get3A_92 = tpu.vector_load %arg9[%get3A_91] {strides = array<i32>} : memref<128xi32, #tpu.memory_space<vmem>>, vector<16xi32>,
      tpu.vector_store_idx %arg11[%get3A_92], %broadcast_in_dim3A_89 {add = true} : memref<10240xf32, #tpu.memory_space<vmem>>[vector<16xi32>], vector<16xf32>,
      %get3A_93 = arith.constant 32 : index
      %get3A_94 = tpu.vector_load %arg9[%get3A_93] {strides = array<i32>} : memref<128xi32, #tpu.memory_space<vmem>>, vector<16xi32>,
      tpu.vector_store_idx %arg11[%get3A_94], %broadcast_in_dim3A_89 {add = true} : memref<10240xf32, #tpu.memory_space<vmem>>[vector<16xi32>], vector<16xf32>,
      %get3A_95 = arith.constant 48 : index
      %get3A_96 = tpu.vector_load %arg9[%get3A_95] {strides = array<i32>} : memref<128xi32, #tpu.memory_space<vmem>>, vector<16xi32>,
      tpu.vector_store_idx %arg11[%get3A_96], %broadcast_in_dim3A_89 {add = true} : memref<10240xf32, #tpu.memory_space<vmem>>[vector<16xi32>], vector<16xf32>,
      %get3A_97 = arith.constant 64 : index
      %get3A_98 = tpu.vector_load %arg9[%get3A_97] {strides = array<i32>} : memref<128xi32, #tpu.memory_space<vmem>>, vector<16xi32>,
      tpu.vector_store_idx %arg11[%get3A_98], %broadcast_in_dim3A_89 {add = true} : memref<10240xf32, #tpu.memory_space<vmem>>[vector<16xi32>], vector<16xf32>,
      %get3A_99 = arith.constant 80 : index
      %get3A_100 = tpu.vector_load %arg9[%get3A_99] {strides = array<i32>} : memref<128xi32, #tpu.memory_space<vmem>>, vector<16xi32>,
      tpu.vector_store_idx %arg11[%get3A_100], %broadcast_in_dim3A_89 {add = true} : memref<10240xf32, #tpu.memory_space<vmem>>[vector<16xi32>], vector<16xf32>,
      %get3A_101 = arith.constant 96 : index
      %get3A_102 = tpu.vector_load %arg9[%get3A_101] {strides = array<i32>} : memref<128xi32, #tpu.memory_space<vmem>>, vector<16xi32>,
      tpu.vector_store_idx %arg11[%get3A_102], %broadcast_in_dim3A_89 {add = true} : memref<10240xf32, #tpu.memory_space<vmem>>[vector<16xi32>], vector<16xf32>,
      %get3A_103 = arith.constant 112 : index
      %get3A_104 = tpu.vector_load %arg9[%get3A_103] {strides = array<i32>} : memref<128xi32, #tpu.memory_space<vmem>>, vector<16xi32>,
      tpu.vector_store_idx %arg11[%get3A_104], %broadcast_in_dim3A_89 {add = true} : memref<10240xf32, #tpu.memory_space<vmem>>[vector<16xi32>], vector<16xf32>,
    }
    %while3A_54 = arith.constant 1 : i32
    scf.for %while3A_79 = %while3A_52 to %while3A_48 step %while3A_54  : i32 {
      %mul3A_80 = arith.constant 32 : i32
      %mul3A_81 = arith.muli %while3A_79, %mul3A_80 : i32
      %add3A_82 = arith.addi %add3A, %mul3A_81 : i32
      %mul3A_83 = arith.constant 128 : i32
      %mul3A_84 = arith.muli %add3A_82, %mul3A_83 : i32
      "tpu.region"() ({
        %run_scoped3A = tpu.sem_alloc : memref<!tpu.dma_semaphore, #tpu.memory_space<semaphore_mem>>
        %dma_start3A_105 = tpu.memref_slice %arg3[%mul3A_84] : memref<320000xi32, #tpu.memory_space<hbm>> -> memref<128xi32, #tpu.memory_space<hbm>>
        %dma_start3A_106 = tpu.memref_slice %arg3[%mul3A_84] : memref<320000xi32, #tpu.memory_space<hbm>> -> memref<128xi32, #tpu.memory_space<hbm>>
        tpu.enqueue_dma source(%dma_start3A_106 : memref<128xi32, #tpu.memory_space<hbm>>) target(%arg8 : memref<128xi32, #tpu.memory_space<vmem>>) target_semaphore(%run_scoped3A : memref<!tpu.dma_semaphore, #tpu.memory_space<semaphore_mem>>)
        %dma_wait3A_107 = tpu.memref_slice %arg3[%mul3A_84] : memref<320000xi32, #tpu.memory_space<hbm>> -> memref<128xi32, #tpu.memory_space<hbm>>
        %dma_wait3A_108 = tpu.memref_slice %arg3[%mul3A_84] : memref<320000xi32, #tpu.memory_space<hbm>> -> memref<128xi32, #tpu.memory_space<hbm>>
        tpu.wait_dma2 semaphore(%run_scoped3A : memref<!tpu.dma_semaphore, #tpu.memory_space<semaphore_mem>>) src(%dma_wait3A_108 : memref<128xi32, #tpu.memory_space<hbm>>) dst(%arg8 : memref<128xi32, #tpu.memory_space<vmem>>)
        tpu.yield
      }) : () -> ()
      "tpu.region"() ({
        %run_scoped3A = tpu.sem_alloc : memref<!tpu.dma_semaphore, #tpu.memory_space<semaphore_mem>>
        %dma_start3A_105 = tpu.memref_slice %arg4[%mul3A_84] : memref<320000xi32, #tpu.memory_space<hbm>> -> memref<128xi32, #tpu.memory_space<hbm>>
        %dma_start3A_106 = tpu.memref_slice %arg4[%mul3A_84] : memref<320000xi32, #tpu.memory_space<hbm>> -> memref<128xi32, #tpu.memory_space<hbm>>
        tpu.enqueue_dma source(%dma_start3A_106 : memref<128xi32, #tpu.memory_space<hbm>>) target(%arg9 : memref<128xi32, #tpu.memory_space<vmem>>) target_semaphore(%run_scoped3A : memref<!tpu.dma_semaphore, #tpu.memory_space<semaphore_mem>>)
        %dma_wait3A_107 = tpu.memref_slice %arg4[%mul3A_84] : memref<320000xi32, #tpu.memory_space<hbm>> -> memref<128xi32, #tpu.memory_space<hbm>>
        %dma_wait3A_108 = tpu.memref_slice %arg4[%mul3A_84] : memref<320000xi32, #tpu.memory_space<hbm>> -> memref<128xi32, #tpu.memory_space<hbm>>
        tpu.wait_dma2 semaphore(%run_scoped3A : memref<!tpu.dma_semaphore, #tpu.memory_space<semaphore_mem>>) src(%dma_wait3A_108 : memref<128xi32, #tpu.memory_space<hbm>>) dst(%arg9 : memref<128xi32, #tpu.memory_space<vmem>>)
        tpu.yield
      }) : () -> ()
      %dma_start3A = arith.constant 0 : i32
      %dma_start3A_85 = arith.constant 0 : i32
      %dma_start3A_86 = tpu.memref_slice %arg2[%dma_start3A, %dma_start3A_85] : memref<10240x128xf32, #tpu.memory_space<hbm>> -> memref<10240x128xf32, #tpu.memory_space<hbm>>
      tpu.enqueue_indirect_dma source(%dma_start3A_86 : memref<10240x128xf32, #tpu.memory_space<hbm>>) target(%arg10 : memref<128x128xf32, #tpu.memory_space<vmem>>) offsets(%arg8 : memref<128xi32, #tpu.memory_space<vmem>>) semaphore(%arg12 : memref<!tpu.dma_semaphore, #tpu.memory_space<semaphore_mem>>)
      %dma_wait3A = arith.constant 0 : i32
      %dma_wait3A_87 = arith.constant 0 : i32
      %dma_wait3A_88 = tpu.memref_slice %arg2[%dma_wait3A, %dma_wait3A_87] : memref<10240x128xf32, #tpu.memory_space<hbm>> -> memref<10240x128xf32, #tpu.memory_space<hbm>>
      tpu.wait_indirect_dma semaphore(%arg12 : memref<!tpu.dma_semaphore, #tpu.memory_space<semaphore_mem>>) src(%dma_wait3A_88 : memref<10240x128xf32, #tpu.memory_space<hbm>>) dst(%arg10 : memref<128x128xf32, #tpu.memory_space<vmem>>)
      "tpu.region"() ({
        %run_scoped3A = tpu.sem_alloc : memref<!tpu.dma_semaphore, #tpu.memory_space<semaphore_mem>>
        %dma_start3A_105 = arith.constant 0 : i32
        %dma_start3A_106 = arith.constant 0 : i32
        %dma_start3A_107 = tpu.memref_slice %arg7[%dma_start3A_105, %dma_start3A_106] : memref<10240x128xf32, #tpu.memory_space<vmem_shared>> -> memref<10240x128xf32, #tpu.memory_space<vmem_shared>>
        tpu.enqueue_indirect_dma source(%arg10 : memref<128x128xf32, #tpu.memory_space<vmem>>) target(%dma_start3A_107 : memref<10240x128xf32, #tpu.memory_space<vmem_shared>>) offsets(%arg9 : memref<128xi32, #tpu.memory_space<vmem>>) semaphore(%run_scoped3A : memref<!tpu.dma_semaphore, #tpu.memory_space<semaphore_mem>>) {add = true}
        %dma_wait3A_108 = arith.constant 0 : i32
        %dma_wait3A_109 = arith.constant 0 : i32
        %dma_wait3A_110 = tpu.memref_slice %arg7[%dma_wait3A_108, %dma_wait3A_109] : memref<10240x128xf32, #tpu.memory_space<vmem_shared>> -> memref<10240x128xf32, #tpu.memory_space<vmem_shared>>
        tpu.wait_indirect_dma semaphore(%run_scoped3A : memref<!tpu.dma_semaphore, #tpu.memory_space<semaphore_mem>>) src(%arg10 : memref<128x128xf32, #tpu.memory_space<vmem>>) dst(%dma_wait3A_110 : memref<10240x128xf32, #tpu.memory_space<vmem_shared>>)
        tpu.yield
      }) : () -> ()
      %broadcast_in_dim3A = arith.constant 1.000000e+00 : f32
      %broadcast_in_dim3A_89 = vector.broadcast %broadcast_in_dim3A : f32 to vector<16xf32>
      %get3A = arith.constant 0 : index
      %get3A_90 = tpu.vector_load %arg9[%get3A] {strides = array<i32>} : memref<128xi32, #tpu.memory_space<vmem>>, vector<16xi32>,
      tpu.vector_store_idx %arg11[%get3A_90], %broadcast_in_dim3A_89 {add = true} : memref<10240xf32, #tpu.memory_space<vmem>>[vector<16xi32>], vector<16xf32>,
      %get3A_91 = arith.constant 16 : index
      %get3A_92 = tpu.vector_load %arg9[%get3A_91] {strides = array<i32>} : memref<128xi32, #tpu.memory_space<vmem>>, vector<16xi32>,
      tpu.vector_store_idx %arg11[%get3A_92], %broadcast_in_dim3A_89 {add = true} : memref<10240xf32, #tpu.memory_space<vmem>>[vector<16xi32>], vector<16xf32>,
      %get3A_93 = arith.constant 32 : index
      %get3A_94 = tpu.vector_load %arg9[%get3A_93] {strides = array<i32>} : memref<128xi32, #tpu.memory_space<vmem>>, vector<16xi32>,
      tpu.vector_store_idx %arg11[%get3A_94], %broadcast_in_dim3A_89 {add = true} : memref<10240xf32, #tpu.memory_space<vmem>>[vector<16xi32>], vector<16xf32>,
      %get3A_95 = arith.constant 48 : index
      %get3A_96 = tpu.vector_load %arg9[%get3A_95] {strides = array<i32>} : memref<128xi32, #tpu.memory_space<vmem>>, vector<16xi32>,
      tpu.vector_store_idx %arg11[%get3A_96], %broadcast_in_dim3A_89 {add = true} : memref<10240xf32, #tpu.memory_space<vmem>>[vector<16xi32>], vector<16xf32>,
      %get3A_97 = arith.constant 64 : index
      %get3A_98 = tpu.vector_load %arg9[%get3A_97] {strides = array<i32>} : memref<128xi32, #tpu.memory_space<vmem>>, vector<16xi32>,
      tpu.vector_store_idx %arg11[%get3A_98], %broadcast_in_dim3A_89 {add = true} : memref<10240xf32, #tpu.memory_space<vmem>>[vector<16xi32>], vector<16xf32>,
      %get3A_99 = arith.constant 80 : index
      %get3A_100 = tpu.vector_load %arg9[%get3A_99] {strides = array<i32>} : memref<128xi32, #tpu.memory_space<vmem>>, vector<16xi32>,
      tpu.vector_store_idx %arg11[%get3A_100], %broadcast_in_dim3A_89 {add = true} : memref<10240xf32, #tpu.memory_space<vmem>>[vector<16xi32>], vector<16xf32>,
      %get3A_101 = arith.constant 96 : index
      %get3A_102 = tpu.vector_load %arg9[%get3A_101] {strides = array<i32>} : memref<128xi32, #tpu.memory_space<vmem>>, vector<16xi32>,
      tpu.vector_store_idx %arg11[%get3A_102], %broadcast_in_dim3A_89 {add = true} : memref<10240xf32, #tpu.memory_space<vmem>>[vector<16xi32>], vector<16xf32>,
      %get3A_103 = arith.constant 112 : index
      %get3A_104 = tpu.vector_load %arg9[%get3A_103] {strides = array<i32>} : memref<128xi32, #tpu.memory_space<vmem>>, vector<16xi32>,
      tpu.vector_store_idx %arg11[%get3A_104], %broadcast_in_dim3A_89 {add = true} : memref<10240xf32, #tpu.memory_space<vmem>>[vector<16xi32>], vector<16xf32>,
    }
    %barrier3A_55 = arith.constant 0 : index
    tpu.barrier barrier_id(%barrier3A_55)
    %mul3A_56 = arith.constant 10240 : i32
    %mul3A_57 = arith.muli %arg0, %mul3A_56 : i32
    %add3A_58 = arith.addi %mul3A_57, %mul3A_2 : i32
    %add3A_59 = arith.constant 0 : i32
    %add3A_60 = arith.addi %mul3A_2, %add3A_59 : i32
    %add3A_61 = arith.constant 0 : i32
    %add3A_62 = arith.addi %add3A_58, %add3A_61 : i32
    "tpu.region"() ({
      %run_scoped3A = tpu.sem_alloc : memref<!tpu.dma_semaphore, #tpu.memory_space<semaphore_mem>>
      %dma_start3A = arith.constant 0 : i32
      %dma_start3A_79 = tpu.memref_slice %arg5[%add3A_62, %dma_start3A] : memref<20480x128xf32, #tpu.memory_space<hbm>> -> memref<128x128xf32, #tpu.memory_space<hbm>>
      %dma_start3A_80 = arith.constant 0 : i32
      %dma_start3A_81 = tpu.memref_slice %arg7[%add3A_60, %dma_start3A_80] : memref<10240x128xf32, #tpu.memory_space<vmem_shared>> -> memref<128x128xf32, #tpu.memory_space<vmem_shared>>
      tpu.enqueue_dma source(%dma_start3A_81 : memref<128x128xf32, #tpu.memory_space<vmem_shared>>) target(%dma_start3A_79 : memref<128x128xf32, #tpu.memory_space<hbm>>) target_semaphore(%run_scoped3A : memref<!tpu.dma_semaphore, #tpu.memory_space<semaphore_mem>>)
      %dma_wait3A = arith.constant 0 : i32
      %dma_wait3A_82 = tpu.memref_slice %arg5[%add3A_62, %dma_wait3A] : memref<20480x128xf32, #tpu.memory_space<hbm>> -> memref<128x128xf32, #tpu.memory_space<hbm>>
      %dma_wait3A_83 = arith.constant 0 : i32
      %dma_wait3A_84 = tpu.memref_slice %arg7[%add3A_60, %dma_wait3A_83] : memref<10240x128xf32, #tpu.memory_space<vmem_shared>> -> memref<128x128xf32, #tpu.memory_space<vmem_shared>>
      tpu.wait_dma2 semaphore(%run_scoped3A : memref<!tpu.dma_semaphore, #tpu.memory_space<semaphore_mem>>) src(%dma_wait3A_84 : memref<128x128xf32, #tpu.memory_space<vmem_shared>>) dst(%dma_wait3A_82 : memref<128x128xf32, #tpu.memory_space<hbm>>)
      tpu.yield
    }) : () -> ()
    %add3A_63 = arith.constant 128 : i32
    %add3A_64 = arith.addi %mul3A_2, %add3A_63 : i32
    %add3A_65 = arith.constant 128 : i32
    %add3A_66 = arith.addi %add3A_58, %add3A_65 : i32
    "tpu.region"() ({
      %run_scoped3A = tpu.sem_alloc : memref<!tpu.dma_semaphore, #tpu.memory_space<semaphore_mem>>
      %dma_start3A = arith.constant 0 : i32
      %dma_start3A_79 = tpu.memref_slice %arg5[%add3A_66, %dma_start3A] : memref<20480x128xf32, #tpu.memory_space<hbm>> -> memref<128x128xf32, #tpu.memory_space<hbm>>
      %dma_start3A_80 = arith.constant 0 : i32
      %dma_start3A_81 = tpu.memref_slice %arg7[%add3A_64, %dma_start3A_80] : memref<10240x128xf32, #tpu.memory_space<vmem_shared>> -> memref<128x128xf32, #tpu.memory_space<vmem_shared>>
      tpu.enqueue_dma source(%dma_start3A_81 : memref<128x128xf32, #tpu.memory_space<vmem_shared>>) target(%dma_start3A_79 : memref<128x128xf32, #tpu.memory_space<hbm>>) target_semaphore(%run_scoped3A : memref<!tpu.dma_semaphore, #tpu.memory_space<semaphore_mem>>)
      %dma_wait3A = arith.constant 0 : i32
      %dma_wait3A_82 = tpu.memref_slice %arg5[%add3A_66, %dma_wait3A] : memref<20480x128xf32, #tpu.memory_space<hbm>> -> memref<128x128xf32, #tpu.memory_space<hbm>>
      %dma_wait3A_83 = arith.constant 0 : i32
      %dma_wait3A_84 = tpu.memref_slice %arg7[%add3A_64, %dma_wait3A_83] : memref<10240x128xf32, #tpu.memory_space<vmem_shared>> -> memref<128x128xf32, #tpu.memory_space<vmem_shared>>
      tpu.wait_dma2 semaphore(%run_scoped3A : memref<!tpu.dma_semaphore, #tpu.memory_space<semaphore_mem>>) src(%dma_wait3A_84 : memref<128x128xf32, #tpu.memory_space<vmem_shared>>) dst(%dma_wait3A_82 : memref<128x128xf32, #tpu.memory_space<hbm>>)
      tpu.yield
    }) : () -> ()
    %add3A_67 = arith.constant 256 : i32
    %add3A_68 = arith.addi %mul3A_2, %add3A_67 : i32
    %add3A_69 = arith.constant 256 : i32
    %add3A_70 = arith.addi %add3A_58, %add3A_69 : i32
    "tpu.region"() ({
      %run_scoped3A = tpu.sem_alloc : memref<!tpu.dma_semaphore, #tpu.memory_space<semaphore_mem>>
      %dma_start3A = arith.constant 0 : i32
      %dma_start3A_79 = tpu.memref_slice %arg5[%add3A_70, %dma_start3A] : memref<20480x128xf32, #tpu.memory_space<hbm>> -> memref<128x128xf32, #tpu.memory_space<hbm>>
      %dma_start3A_80 = arith.constant 0 : i32
      %dma_start3A_81 = tpu.memref_slice %arg7[%add3A_68, %dma_start3A_80] : memref<10240x128xf32, #tpu.memory_space<vmem_shared>> -> memref<128x128xf32, #tpu.memory_space<vmem_shared>>
      tpu.enqueue_dma source(%dma_start3A_81 : memref<128x128xf32, #tpu.memory_space<vmem_shared>>) target(%dma_start3A_79 : memref<128x128xf32, #tpu.memory_space<hbm>>) target_semaphore(%run_scoped3A : memref<!tpu.dma_semaphore, #tpu.memory_space<semaphore_mem>>)
      %dma_wait3A = arith.constant 0 : i32
      %dma_wait3A_82 = tpu.memref_slice %arg5[%add3A_70, %dma_wait3A] : memref<20480x128xf32, #tpu.memory_space<hbm>> -> memref<128x128xf32, #tpu.memory_space<hbm>>
      %dma_wait3A_83 = arith.constant 0 : i32
      %dma_wait3A_84 = tpu.memref_slice %arg7[%add3A_68, %dma_wait3A_83] : memref<10240x128xf32, #tpu.memory_space<vmem_shared>> -> memref<128x128xf32, #tpu.memory_space<vmem_shared>>
      tpu.wait_dma2 semaphore(%run_scoped3A : memref<!tpu.dma_semaphore, #tpu.memory_space<semaphore_mem>>) src(%dma_wait3A_84 : memref<128x128xf32, #tpu.memory_space<vmem_shared>>) dst(%dma_wait3A_82 : memref<128x128xf32, #tpu.memory_space<hbm>>)
      tpu.yield
    }) : () -> ()
    %add3A_71 = arith.constant 384 : i32
    %add3A_72 = arith.addi %mul3A_2, %add3A_71 : i32
    %add3A_73 = arith.constant 384 : i32
    %add3A_74 = arith.addi %add3A_58, %add3A_73 : i32
    "tpu.region"() ({
      %run_scoped3A = tpu.sem_alloc : memref<!tpu.dma_semaphore, #tpu.memory_space<semaphore_mem>>
      %dma_start3A = arith.constant 0 : i32
      %dma_start3A_79 = tpu.memref_slice %arg5[%add3A_74, %dma_start3A] : memref<20480x128xf32, #tpu.memory_space<hbm>> -> memref<128x128xf32, #tpu.memory_space<hbm>>
      %dma_start3A_80 = arith.constant 0 : i32
      %dma_start3A_81 = tpu.memref_slice %arg7[%add3A_72, %dma_start3A_80] : memref<10240x128xf32, #tpu.memory_space<vmem_shared>> -> memref<128x128xf32, #tpu.memory_space<vmem_shared>>
      tpu.enqueue_dma source(%dma_start3A_81 : memref<128x128xf32, #tpu.memory_space<vmem_shared>>) target(%dma_start3A_79 : memref<128x128xf32, #tpu.memory_space<hbm>>) target_semaphore(%run_scoped3A : memref<!tpu.dma_semaphore, #tpu.memory_space<semaphore_mem>>)
      %dma_wait3A = arith.constant 0 : i32
      %dma_wait3A_82 = tpu.memref_slice %arg5[%add3A_74, %dma_wait3A] : memref<20480x128xf32, #tpu.memory_space<hbm>> -> memref<128x128xf32, #tpu.memory_space<hbm>>
      %dma_wait3A_83 = arith.constant 0 : i32
      %dma_wait3A_84 = tpu.memref_slice %arg7[%add3A_72, %dma_wait3A_83] : memref<10240x128xf32, #tpu.memory_space<vmem_shared>> -> memref<128x128xf32, #tpu.memory_space<vmem_shared>>
      tpu.wait_dma2 semaphore(%run_scoped3A : memref<!tpu.dma_semaphore, #tpu.memory_space<semaphore_mem>>) src(%dma_wait3A_84 : memref<128x128xf32, #tpu.memory_space<vmem_shared>>) dst(%dma_wait3A_82 : memref<128x128xf32, #tpu.memory_space<hbm>>)
      tpu.yield
    }) : () -> ()
    %add3A_75 = arith.constant 512 : i32
    %add3A_76 = arith.addi %mul3A_2, %add3A_75 : i32
    %add3A_77 = arith.constant 512 : i32
    %add3A_78 = arith.addi %add3A_58, %add3A_77 : i32
    "tpu.region"() ({
      %run_scoped3A = tpu.sem_alloc : memref<!tpu.dma_semaphore, #tpu.memory_space<semaphore_mem>>
      %dma_start3A = arith.constant 0 : i32
      %dma_start3A_79 = tpu.memref_slice %arg5[%add3A_78, %dma_start3A] : memref<20480x128xf32, #tpu.memory_space<hbm>> -> memref<128x128xf32, #tpu.memory_space<hbm>>
      %dma_start3A_80 = arith.constant 0 : i32
      %dma_start3A_81 = tpu.memref_slice %arg7[%add3A_76, %dma_start3A_80] : memref<10240x128xf32, #tpu.memory_space<vmem_shared>> -> memref<128x128xf32, #tpu.memory_space<vmem_shared>>
      tpu.enqueue_dma source(%dma_start3A_81 : memref<128x128xf32, #tpu.memory_space<vmem_shared>>) target(%dma_start3A_79 : memref<128x128xf32, #tpu.memory_space<hbm>>) target_semaphore(%run_scoped3A : memref<!tpu.dma_semaphore, #tpu.memory_space<semaphore_mem>>)
      %dma_wait3A = arith.constant 0 : i32
      %dma_wait3A_82 = tpu.memref_slice %arg5[%add3A_78, %dma_wait3A] : memref<20480x128xf32, #tpu.memory_space<hbm>> -> memref<128x128xf32, #tpu.memory_space<hbm>>
      %dma_wait3A_83 = arith.constant 0 : i32
      %dma_wait3A_84 = tpu.memref_slice %arg7[%add3A_76, %dma_wait3A_83] : memref<10240x128xf32, #tpu.memory_space<vmem_shared>> -> memref<128x128xf32, #tpu.memory_space<vmem_shared>>
      tpu.wait_dma2 semaphore(%run_scoped3A : memref<!tpu.dma_semaphore, #tpu.memory_space<semaphore_mem>>) src(%dma_wait3A_84 : memref<128x128xf32, #tpu.memory_space<vmem_shared>>) dst(%dma_wait3A_82 : memref<128x128xf32, #tpu.memory_space<hbm>>)
      tpu.yield
    }) : () -> ()
    "tpu.region"() ({
      %run_scoped3A = tpu.sem_alloc : memref<!tpu.dma_semaphore, #tpu.memory_space<semaphore_mem>>
      %dma_start3A = arith.constant 0 : i32
      %dma_start3A_79 = tpu.memref_slice %arg6[%add3A, %dma_start3A] : memref<32x10240xf32, #tpu.memory_space<hbm>> -> memref<1x10240xf32, #tpu.memory_space<hbm>>
      %dma_start3A_80 = tpu.memref_squeeze %dma_start3A_79 : memref<1x10240xf32, #tpu.memory_space<hbm>> -> memref<10240xf32, #tpu.memory_space<hbm>>
      %dma_start3A_81 = arith.constant 0 : i32
      %dma_start3A_82 = tpu.memref_slice %arg6[%add3A, %dma_start3A_81] : memref<32x10240xf32, #tpu.memory_space<hbm>> -> memref<1x10240xf32, #tpu.memory_space<hbm>>
      %dma_start3A_83 = tpu.memref_squeeze %dma_start3A_82 : memref<1x10240xf32, #tpu.memory_space<hbm>> -> memref<10240xf32, #tpu.memory_space<hbm>>
      tpu.enqueue_dma source(%arg11 : memref<10240xf32, #tpu.memory_space<vmem>>) target(%dma_start3A_83 : memref<10240xf32, #tpu.memory_space<hbm>>) target_semaphore(%run_scoped3A : memref<!tpu.dma_semaphore, #tpu.memory_space<semaphore_mem>>)
      %dma_wait3A = arith.constant 0 : i32
      %dma_wait3A_84 = tpu.memref_slice %arg6[%add3A, %dma_wait3A] : memref<32x10240xf32, #tpu.memory_space<hbm>> -> memref<1x10240xf32, #tpu.memory_space<hbm>>
      %dma_wait3A_85 = tpu.memref_squeeze %dma_wait3A_84 : memref<1x10240xf32, #tpu.memory_space<hbm>> -> memref<10240xf32, #tpu.memory_space<hbm>>
      %dma_wait3A_86 = arith.constant 0 : i32
      %dma_wait3A_87 = tpu.memref_slice %arg6[%add3A, %dma_wait3A_86] : memref<32x10240xf32, #tpu.memory_space<hbm>> -> memref<1x10240xf32, #tpu.memory_space<hbm>>
      %dma_wait3A_88 = tpu.memref_squeeze %dma_wait3A_87 : memref<1x10240xf32, #tpu.memory_space<hbm>> -> memref<10240xf32, #tpu.memory_space<hbm>>
      tpu.wait_dma2 semaphore(%run_scoped3A : memref<!tpu.dma_semaphore, #tpu.memory_space<semaphore_mem>>) src(%arg11 : memref<10240xf32, #tpu.memory_space<vmem>>) dst(%dma_wait3A_88 : memref<10240xf32, #tpu.memory_space<hbm>>)
      tpu.yield
    }) : () -> ()
    return
  }
}

#map = affine_map<(d0, d1) -> (0, 0)>
#map1 = affine_map<(d0, d1) -> (0)>
module attributes {stable_mosaic.version = 14 : i64} {
  func.func @_sc_agg_body(%arg0: i32, %arg1: i32, %arg2: memref<10240x128xf32, #tpu.memory_space<hbm>>, %arg3: memref<320000xi32, #tpu.memory_space<hbm>>, %arg4: memref<320000xi32, #tpu.memory_space<hbm>>, %arg5: memref<20480x128xf32, #tpu.memory_space<hbm>>, %arg6: memref<10240x128xf32, #tpu.memory_space<vmem_shared>>, %arg7: memref<128xi32, #tpu.memory_space<vmem>>, %arg8: memref<128xi32, #tpu.memory_space<vmem>>, %arg9: memref<128x128xf32, #tpu.memory_space<vmem>>, %arg10: memref<!tpu.dma_semaphore, #tpu.memory_space<semaphore_mem>>) attributes {dimension_semantics = [#tpu.dimension_semantics<core_parallel>, #tpu.dimension_semantics<subcore_parallel>], iteration_bounds = array<i64: 2, 16>, scalar_prefetch = 0 : i64, scratch_operands = 5 : i64, tpu.core_type = #tpu.core_type<sc_vector_subcore>, window_params = [{transform_indices = #map}, {transform_indices = #map1}, {transform_indices = #map1}, {transform_indices = #map}]} {
    %mul3A = arith.constant 16 : i32
    %mul3A_0 = arith.muli %arg0, %mul3A : i32
    %add3A = arith.addi %mul3A_0, %arg1 : i32
    %mul3A_1 = arith.constant 640 : i32
    %mul3A_2 = arith.muli %arg1, %mul3A_1 : i32
    %scan3A = arith.constant 0 : i32
    %scan3A_3 = arith.constant 0 : i32
    %scan3A_4 = arith.constant 128 : i32
    %scan3A_5 = arith.addi %scan3A_3, %scan3A_4 : i32
    %scan3A_6 = arith.constant 1 : i32
    scf.for %scan3A_73 = %scan3A_3 to %scan3A_5 step %scan3A_6  : i32 {
      %broadcast_in_dim3A = arith.constant 0.000000e+00 : f32
      %broadcast_in_dim3A_74 = vector.broadcast %broadcast_in_dim3A : f32 to vector<16xf32>
      %swap3A = arith.index_cast %scan3A_73 : i32 to index
      %swap3A_75 = arith.constant 0 : index
      %swap3A_76 = tpu.vector_load %arg9[%swap3A, %swap3A_75] {strides = array<i32>} : memref<128x128xf32, #tpu.memory_space<vmem>>, vector<16xf32>,
      tpu.vector_store %arg9[%swap3A, %swap3A_75], %broadcast_in_dim3A_74 {strides = array<i32>} : memref<128x128xf32, #tpu.memory_space<vmem>>, vector<16xf32>,
      %broadcast_in_dim3A_77 = arith.constant 0.000000e+00 : f32
      %broadcast_in_dim3A_78 = vector.broadcast %broadcast_in_dim3A_77 : f32 to vector<16xf32>
      %swap3A_79 = arith.index_cast %scan3A_73 : i32 to index
      %swap3A_80 = arith.constant 16 : index
      %swap3A_81 = tpu.vector_load %arg9[%swap3A_79, %swap3A_80] {strides = array<i32>} : memref<128x128xf32, #tpu.memory_space<vmem>>, vector<16xf32>,
      tpu.vector_store %arg9[%swap3A_79, %swap3A_80], %broadcast_in_dim3A_78 {strides = array<i32>} : memref<128x128xf32, #tpu.memory_space<vmem>>, vector<16xf32>,
      %broadcast_in_dim3A_82 = arith.constant 0.000000e+00 : f32
      %broadcast_in_dim3A_83 = vector.broadcast %broadcast_in_dim3A_82 : f32 to vector<16xf32>
      %swap3A_84 = arith.index_cast %scan3A_73 : i32 to index
      %swap3A_85 = arith.constant 32 : index
      %swap3A_86 = tpu.vector_load %arg9[%swap3A_84, %swap3A_85] {strides = array<i32>} : memref<128x128xf32, #tpu.memory_space<vmem>>, vector<16xf32>,
      tpu.vector_store %arg9[%swap3A_84, %swap3A_85], %broadcast_in_dim3A_83 {strides = array<i32>} : memref<128x128xf32, #tpu.memory_space<vmem>>, vector<16xf32>,
      %broadcast_in_dim3A_87 = arith.constant 0.000000e+00 : f32
      %broadcast_in_dim3A_88 = vector.broadcast %broadcast_in_dim3A_87 : f32 to vector<16xf32>
      %swap3A_89 = arith.index_cast %scan3A_73 : i32 to index
      %swap3A_90 = arith.constant 48 : index
      %swap3A_91 = tpu.vector_load %arg9[%swap3A_89, %swap3A_90] {strides = array<i32>} : memref<128x128xf32, #tpu.memory_space<vmem>>, vector<16xf32>,
      tpu.vector_store %arg9[%swap3A_89, %swap3A_90], %broadcast_in_dim3A_88 {strides = array<i32>} : memref<128x128xf32, #tpu.memory_space<vmem>>, vector<16xf32>,
      %broadcast_in_dim3A_92 = arith.constant 0.000000e+00 : f32
      %broadcast_in_dim3A_93 = vector.broadcast %broadcast_in_dim3A_92 : f32 to vector<16xf32>
      %swap3A_94 = arith.index_cast %scan3A_73 : i32 to index
      %swap3A_95 = arith.constant 64 : index
      %swap3A_96 = tpu.vector_load %arg9[%swap3A_94, %swap3A_95] {strides = array<i32>} : memref<128x128xf32, #tpu.memory_space<vmem>>, vector<16xf32>,
      tpu.vector_store %arg9[%swap3A_94, %swap3A_95], %broadcast_in_dim3A_93 {strides = array<i32>} : memref<128x128xf32, #tpu.memory_space<vmem>>, vector<16xf32>,
      %broadcast_in_dim3A_97 = arith.constant 0.000000e+00 : f32
      %broadcast_in_dim3A_98 = vector.broadcast %broadcast_in_dim3A_97 : f32 to vector<16xf32>
      %swap3A_99 = arith.index_cast %scan3A_73 : i32 to index
      %swap3A_100 = arith.constant 80 : index
      %swap3A_101 = tpu.vector_load %arg9[%swap3A_99, %swap3A_100] {strides = array<i32>} : memref<128x128xf32, #tpu.memory_space<vmem>>, vector<16xf32>,
      tpu.vector_store %arg9[%swap3A_99, %swap3A_100], %broadcast_in_dim3A_98 {strides = array<i32>} : memref<128x128xf32, #tpu.memory_space<vmem>>, vector<16xf32>,
      %broadcast_in_dim3A_102 = arith.constant 0.000000e+00 : f32
      %broadcast_in_dim3A_103 = vector.broadcast %broadcast_in_dim3A_102 : f32 to vector<16xf32>
      %swap3A_104 = arith.index_cast %scan3A_73 : i32 to index
      %swap3A_105 = arith.constant 96 : index
      %swap3A_106 = tpu.vector_load %arg9[%swap3A_104, %swap3A_105] {strides = array<i32>} : memref<128x128xf32, #tpu.memory_space<vmem>>, vector<16xf32>,
      tpu.vector_store %arg9[%swap3A_104, %swap3A_105], %broadcast_in_dim3A_103 {strides = array<i32>} : memref<128x128xf32, #tpu.memory_space<vmem>>, vector<16xf32>,
      %broadcast_in_dim3A_107 = arith.constant 0.000000e+00 : f32
      %broadcast_in_dim3A_108 = vector.broadcast %broadcast_in_dim3A_107 : f32 to vector<16xf32>
      %swap3A_109 = arith.index_cast %scan3A_73 : i32 to index
      %swap3A_110 = arith.constant 112 : index
      %swap3A_111 = tpu.vector_load %arg9[%swap3A_109, %swap3A_110] {strides = array<i32>} : memref<128x128xf32, #tpu.memory_space<vmem>>, vector<16xf32>,
      tpu.vector_store %arg9[%swap3A_109, %swap3A_110], %broadcast_in_dim3A_108 {strides = array<i32>} : memref<128x128xf32, #tpu.memory_space<vmem>>, vector<16xf32>,
    }
    %scan3A_7 = arith.constant 128 : i32
    %add3A_8 = arith.constant 0 : i32
    %add3A_9 = arith.addi %mul3A_2, %add3A_8 : i32
    "tpu.region"() ({
      %run_scoped3A = tpu.sem_alloc : memref<!tpu.dma_semaphore, #tpu.memory_space<semaphore_mem>>
      %dma_start3A = arith.constant 0 : i32
      %dma_start3A_73 = arith.constant 0 : i32
      %dma_start3A_74 = tpu.memref_slice %arg9[%dma_start3A, %dma_start3A_73] : memref<128x128xf32, #tpu.memory_space<vmem>> -> memref<128x128xf32, #tpu.memory_space<vmem>>
      %dma_start3A_75 = arith.constant 0 : i32
      %dma_start3A_76 = tpu.memref_slice %arg6[%add3A_9, %dma_start3A_75] : memref<10240x128xf32, #tpu.memory_space<vmem_shared>> -> memref<128x128xf32, #tpu.memory_space<vmem_shared>>
      %dma_start3A_77 = arith.constant 0 : i32
      %dma_start3A_78 = tpu.memref_slice %arg6[%add3A_9, %dma_start3A_77] : memref<10240x128xf32, #tpu.memory_space<vmem_shared>> -> memref<128x128xf32, #tpu.memory_space<vmem_shared>>
      %dma_start3A_79 = arith.constant 0 : i32
      %dma_start3A_80 = arith.constant 0 : i32
      %dma_start3A_81 = tpu.memref_slice %arg9[%dma_start3A_79, %dma_start3A_80] : memref<128x128xf32, #tpu.memory_space<vmem>> -> memref<128x128xf32, #tpu.memory_space<vmem>>
      tpu.enqueue_dma source(%dma_start3A_81 : memref<128x128xf32, #tpu.memory_space<vmem>>) target(%dma_start3A_78 : memref<128x128xf32, #tpu.memory_space<vmem_shared>>) target_semaphore(%run_scoped3A : memref<!tpu.dma_semaphore, #tpu.memory_space<semaphore_mem>>)
      %dma_wait3A = arith.constant 0 : i32
      %dma_wait3A_82 = arith.constant 0 : i32
      %dma_wait3A_83 = tpu.memref_slice %arg9[%dma_wait3A, %dma_wait3A_82] : memref<128x128xf32, #tpu.memory_space<vmem>> -> memref<128x128xf32, #tpu.memory_space<vmem>>
      %dma_wait3A_84 = arith.constant 0 : i32
      %dma_wait3A_85 = tpu.memref_slice %arg6[%add3A_9, %dma_wait3A_84] : memref<10240x128xf32, #tpu.memory_space<vmem_shared>> -> memref<128x128xf32, #tpu.memory_space<vmem_shared>>
      %dma_wait3A_86 = arith.constant 0 : i32
      %dma_wait3A_87 = tpu.memref_slice %arg6[%add3A_9, %dma_wait3A_86] : memref<10240x128xf32, #tpu.memory_space<vmem_shared>> -> memref<128x128xf32, #tpu.memory_space<vmem_shared>>
      %dma_wait3A_88 = arith.constant 0 : i32
      %dma_wait3A_89 = arith.constant 0 : i32
      %dma_wait3A_90 = tpu.memref_slice %arg9[%dma_wait3A_88, %dma_wait3A_89] : memref<128x128xf32, #tpu.memory_space<vmem>> -> memref<128x128xf32, #tpu.memory_space<vmem>>
      tpu.wait_dma2 semaphore(%run_scoped3A : memref<!tpu.dma_semaphore, #tpu.memory_space<semaphore_mem>>) src(%dma_wait3A_90 : memref<128x128xf32, #tpu.memory_space<vmem>>) dst(%dma_wait3A_87 : memref<128x128xf32, #tpu.memory_space<vmem_shared>>)
      tpu.yield
    }) : () -> ()
    %add3A_10 = arith.constant 128 : i32
    %add3A_11 = arith.addi %mul3A_2, %add3A_10 : i32
    "tpu.region"() ({
      %run_scoped3A = tpu.sem_alloc : memref<!tpu.dma_semaphore, #tpu.memory_space<semaphore_mem>>
      %dma_start3A = arith.constant 0 : i32
      %dma_start3A_73 = arith.constant 0 : i32
      %dma_start3A_74 = tpu.memref_slice %arg9[%dma_start3A, %dma_start3A_73] : memref<128x128xf32, #tpu.memory_space<vmem>> -> memref<128x128xf32, #tpu.memory_space<vmem>>
      %dma_start3A_75 = arith.constant 0 : i32
      %dma_start3A_76 = tpu.memref_slice %arg6[%add3A_11, %dma_start3A_75] : memref<10240x128xf32, #tpu.memory_space<vmem_shared>> -> memref<128x128xf32, #tpu.memory_space<vmem_shared>>
      %dma_start3A_77 = arith.constant 0 : i32
      %dma_start3A_78 = tpu.memref_slice %arg6[%add3A_11, %dma_start3A_77] : memref<10240x128xf32, #tpu.memory_space<vmem_shared>> -> memref<128x128xf32, #tpu.memory_space<vmem_shared>>
      %dma_start3A_79 = arith.constant 0 : i32
      %dma_start3A_80 = arith.constant 0 : i32
      %dma_start3A_81 = tpu.memref_slice %arg9[%dma_start3A_79, %dma_start3A_80] : memref<128x128xf32, #tpu.memory_space<vmem>> -> memref<128x128xf32, #tpu.memory_space<vmem>>
      tpu.enqueue_dma source(%dma_start3A_81 : memref<128x128xf32, #tpu.memory_space<vmem>>) target(%dma_start3A_78 : memref<128x128xf32, #tpu.memory_space<vmem_shared>>) target_semaphore(%run_scoped3A : memref<!tpu.dma_semaphore, #tpu.memory_space<semaphore_mem>>)
      %dma_wait3A = arith.constant 0 : i32
      %dma_wait3A_82 = arith.constant 0 : i32
      %dma_wait3A_83 = tpu.memref_slice %arg9[%dma_wait3A, %dma_wait3A_82] : memref<128x128xf32, #tpu.memory_space<vmem>> -> memref<128x128xf32, #tpu.memory_space<vmem>>
      %dma_wait3A_84 = arith.constant 0 : i32
      %dma_wait3A_85 = tpu.memref_slice %arg6[%add3A_11, %dma_wait3A_84] : memref<10240x128xf32, #tpu.memory_space<vmem_shared>> -> memref<128x128xf32, #tpu.memory_space<vmem_shared>>
      %dma_wait3A_86 = arith.constant 0 : i32
      %dma_wait3A_87 = tpu.memref_slice %arg6[%add3A_11, %dma_wait3A_86] : memref<10240x128xf32, #tpu.memory_space<vmem_shared>> -> memref<128x128xf32, #tpu.memory_space<vmem_shared>>
      %dma_wait3A_88 = arith.constant 0 : i32
      %dma_wait3A_89 = arith.constant 0 : i32
      %dma_wait3A_90 = tpu.memref_slice %arg9[%dma_wait3A_88, %dma_wait3A_89] : memref<128x128xf32, #tpu.memory_space<vmem>> -> memref<128x128xf32, #tpu.memory_space<vmem>>
      tpu.wait_dma2 semaphore(%run_scoped3A : memref<!tpu.dma_semaphore, #tpu.memory_space<semaphore_mem>>) src(%dma_wait3A_90 : memref<128x128xf32, #tpu.memory_space<vmem>>) dst(%dma_wait3A_87 : memref<128x128xf32, #tpu.memory_space<vmem_shared>>)
      tpu.yield
    }) : () -> ()
    %add3A_12 = arith.constant 256 : i32
    %add3A_13 = arith.addi %mul3A_2, %add3A_12 : i32
    "tpu.region"() ({
      %run_scoped3A = tpu.sem_alloc : memref<!tpu.dma_semaphore, #tpu.memory_space<semaphore_mem>>
      %dma_start3A = arith.constant 0 : i32
      %dma_start3A_73 = arith.constant 0 : i32
      %dma_start3A_74 = tpu.memref_slice %arg9[%dma_start3A, %dma_start3A_73] : memref<128x128xf32, #tpu.memory_space<vmem>> -> memref<128x128xf32, #tpu.memory_space<vmem>>
      %dma_start3A_75 = arith.constant 0 : i32
      %dma_start3A_76 = tpu.memref_slice %arg6[%add3A_13, %dma_start3A_75] : memref<10240x128xf32, #tpu.memory_space<vmem_shared>> -> memref<128x128xf32, #tpu.memory_space<vmem_shared>>
      %dma_start3A_77 = arith.constant 0 : i32
      %dma_start3A_78 = tpu.memref_slice %arg6[%add3A_13, %dma_start3A_77] : memref<10240x128xf32, #tpu.memory_space<vmem_shared>> -> memref<128x128xf32, #tpu.memory_space<vmem_shared>>
      %dma_start3A_79 = arith.constant 0 : i32
      %dma_start3A_80 = arith.constant 0 : i32
      %dma_start3A_81 = tpu.memref_slice %arg9[%dma_start3A_79, %dma_start3A_80] : memref<128x128xf32, #tpu.memory_space<vmem>> -> memref<128x128xf32, #tpu.memory_space<vmem>>
      tpu.enqueue_dma source(%dma_start3A_81 : memref<128x128xf32, #tpu.memory_space<vmem>>) target(%dma_start3A_78 : memref<128x128xf32, #tpu.memory_space<vmem_shared>>) target_semaphore(%run_scoped3A : memref<!tpu.dma_semaphore, #tpu.memory_space<semaphore_mem>>)
      %dma_wait3A = arith.constant 0 : i32
      %dma_wait3A_82 = arith.constant 0 : i32
      %dma_wait3A_83 = tpu.memref_slice %arg9[%dma_wait3A, %dma_wait3A_82] : memref<128x128xf32, #tpu.memory_space<vmem>> -> memref<128x128xf32, #tpu.memory_space<vmem>>
      %dma_wait3A_84 = arith.constant 0 : i32
      %dma_wait3A_85 = tpu.memref_slice %arg6[%add3A_13, %dma_wait3A_84] : memref<10240x128xf32, #tpu.memory_space<vmem_shared>> -> memref<128x128xf32, #tpu.memory_space<vmem_shared>>
      %dma_wait3A_86 = arith.constant 0 : i32
      %dma_wait3A_87 = tpu.memref_slice %arg6[%add3A_13, %dma_wait3A_86] : memref<10240x128xf32, #tpu.memory_space<vmem_shared>> -> memref<128x128xf32, #tpu.memory_space<vmem_shared>>
      %dma_wait3A_88 = arith.constant 0 : i32
      %dma_wait3A_89 = arith.constant 0 : i32
      %dma_wait3A_90 = tpu.memref_slice %arg9[%dma_wait3A_88, %dma_wait3A_89] : memref<128x128xf32, #tpu.memory_space<vmem>> -> memref<128x128xf32, #tpu.memory_space<vmem>>
      tpu.wait_dma2 semaphore(%run_scoped3A : memref<!tpu.dma_semaphore, #tpu.memory_space<semaphore_mem>>) src(%dma_wait3A_90 : memref<128x128xf32, #tpu.memory_space<vmem>>) dst(%dma_wait3A_87 : memref<128x128xf32, #tpu.memory_space<vmem_shared>>)
      tpu.yield
    }) : () -> ()
    %add3A_14 = arith.constant 384 : i32
    %add3A_15 = arith.addi %mul3A_2, %add3A_14 : i32
    "tpu.region"() ({
      %run_scoped3A = tpu.sem_alloc : memref<!tpu.dma_semaphore, #tpu.memory_space<semaphore_mem>>
      %dma_start3A = arith.constant 0 : i32
      %dma_start3A_73 = arith.constant 0 : i32
      %dma_start3A_74 = tpu.memref_slice %arg9[%dma_start3A, %dma_start3A_73] : memref<128x128xf32, #tpu.memory_space<vmem>> -> memref<128x128xf32, #tpu.memory_space<vmem>>
      %dma_start3A_75 = arith.constant 0 : i32
      %dma_start3A_76 = tpu.memref_slice %arg6[%add3A_15, %dma_start3A_75] : memref<10240x128xf32, #tpu.memory_space<vmem_shared>> -> memref<128x128xf32, #tpu.memory_space<vmem_shared>>
      %dma_start3A_77 = arith.constant 0 : i32
      %dma_start3A_78 = tpu.memref_slice %arg6[%add3A_15, %dma_start3A_77] : memref<10240x128xf32, #tpu.memory_space<vmem_shared>> -> memref<128x128xf32, #tpu.memory_space<vmem_shared>>
      %dma_start3A_79 = arith.constant 0 : i32
      %dma_start3A_80 = arith.constant 0 : i32
      %dma_start3A_81 = tpu.memref_slice %arg9[%dma_start3A_79, %dma_start3A_80] : memref<128x128xf32, #tpu.memory_space<vmem>> -> memref<128x128xf32, #tpu.memory_space<vmem>>
      tpu.enqueue_dma source(%dma_start3A_81 : memref<128x128xf32, #tpu.memory_space<vmem>>) target(%dma_start3A_78 : memref<128x128xf32, #tpu.memory_space<vmem_shared>>) target_semaphore(%run_scoped3A : memref<!tpu.dma_semaphore, #tpu.memory_space<semaphore_mem>>)
      %dma_wait3A = arith.constant 0 : i32
      %dma_wait3A_82 = arith.constant 0 : i32
      %dma_wait3A_83 = tpu.memref_slice %arg9[%dma_wait3A, %dma_wait3A_82] : memref<128x128xf32, #tpu.memory_space<vmem>> -> memref<128x128xf32, #tpu.memory_space<vmem>>
      %dma_wait3A_84 = arith.constant 0 : i32
      %dma_wait3A_85 = tpu.memref_slice %arg6[%add3A_15, %dma_wait3A_84] : memref<10240x128xf32, #tpu.memory_space<vmem_shared>> -> memref<128x128xf32, #tpu.memory_space<vmem_shared>>
      %dma_wait3A_86 = arith.constant 0 : i32
      %dma_wait3A_87 = tpu.memref_slice %arg6[%add3A_15, %dma_wait3A_86] : memref<10240x128xf32, #tpu.memory_space<vmem_shared>> -> memref<128x128xf32, #tpu.memory_space<vmem_shared>>
      %dma_wait3A_88 = arith.constant 0 : i32
      %dma_wait3A_89 = arith.constant 0 : i32
      %dma_wait3A_90 = tpu.memref_slice %arg9[%dma_wait3A_88, %dma_wait3A_89] : memref<128x128xf32, #tpu.memory_space<vmem>> -> memref<128x128xf32, #tpu.memory_space<vmem>>
      tpu.wait_dma2 semaphore(%run_scoped3A : memref<!tpu.dma_semaphore, #tpu.memory_space<semaphore_mem>>) src(%dma_wait3A_90 : memref<128x128xf32, #tpu.memory_space<vmem>>) dst(%dma_wait3A_87 : memref<128x128xf32, #tpu.memory_space<vmem_shared>>)
      tpu.yield
    }) : () -> ()
    %add3A_16 = arith.constant 512 : i32
    %add3A_17 = arith.addi %mul3A_2, %add3A_16 : i32
    "tpu.region"() ({
      %run_scoped3A = tpu.sem_alloc : memref<!tpu.dma_semaphore, #tpu.memory_space<semaphore_mem>>
      %dma_start3A = arith.constant 0 : i32
      %dma_start3A_73 = arith.constant 0 : i32
      %dma_start3A_74 = tpu.memref_slice %arg9[%dma_start3A, %dma_start3A_73] : memref<128x128xf32, #tpu.memory_space<vmem>> -> memref<128x128xf32, #tpu.memory_space<vmem>>
      %dma_start3A_75 = arith.constant 0 : i32
      %dma_start3A_76 = tpu.memref_slice %arg6[%add3A_17, %dma_start3A_75] : memref<10240x128xf32, #tpu.memory_space<vmem_shared>> -> memref<128x128xf32, #tpu.memory_space<vmem_shared>>
      %dma_start3A_77 = arith.constant 0 : i32
      %dma_start3A_78 = tpu.memref_slice %arg6[%add3A_17, %dma_start3A_77] : memref<10240x128xf32, #tpu.memory_space<vmem_shared>> -> memref<128x128xf32, #tpu.memory_space<vmem_shared>>
      %dma_start3A_79 = arith.constant 0 : i32
      %dma_start3A_80 = arith.constant 0 : i32
      %dma_start3A_81 = tpu.memref_slice %arg9[%dma_start3A_79, %dma_start3A_80] : memref<128x128xf32, #tpu.memory_space<vmem>> -> memref<128x128xf32, #tpu.memory_space<vmem>>
      tpu.enqueue_dma source(%dma_start3A_81 : memref<128x128xf32, #tpu.memory_space<vmem>>) target(%dma_start3A_78 : memref<128x128xf32, #tpu.memory_space<vmem_shared>>) target_semaphore(%run_scoped3A : memref<!tpu.dma_semaphore, #tpu.memory_space<semaphore_mem>>)
      %dma_wait3A = arith.constant 0 : i32
      %dma_wait3A_82 = arith.constant 0 : i32
      %dma_wait3A_83 = tpu.memref_slice %arg9[%dma_wait3A, %dma_wait3A_82] : memref<128x128xf32, #tpu.memory_space<vmem>> -> memref<128x128xf32, #tpu.memory_space<vmem>>
      %dma_wait3A_84 = arith.constant 0 : i32
      %dma_wait3A_85 = tpu.memref_slice %arg6[%add3A_17, %dma_wait3A_84] : memref<10240x128xf32, #tpu.memory_space<vmem_shared>> -> memref<128x128xf32, #tpu.memory_space<vmem_shared>>
      %dma_wait3A_86 = arith.constant 0 : i32
      %dma_wait3A_87 = tpu.memref_slice %arg6[%add3A_17, %dma_wait3A_86] : memref<10240x128xf32, #tpu.memory_space<vmem_shared>> -> memref<128x128xf32, #tpu.memory_space<vmem_shared>>
      %dma_wait3A_88 = arith.constant 0 : i32
      %dma_wait3A_89 = arith.constant 0 : i32
      %dma_wait3A_90 = tpu.memref_slice %arg9[%dma_wait3A_88, %dma_wait3A_89] : memref<128x128xf32, #tpu.memory_space<vmem>> -> memref<128x128xf32, #tpu.memory_space<vmem>>
      tpu.wait_dma2 semaphore(%run_scoped3A : memref<!tpu.dma_semaphore, #tpu.memory_space<semaphore_mem>>) src(%dma_wait3A_90 : memref<128x128xf32, #tpu.memory_space<vmem>>) dst(%dma_wait3A_87 : memref<128x128xf32, #tpu.memory_space<vmem_shared>>)
      tpu.yield
    }) : () -> ()
    %barrier3A = arith.constant 0 : index
    tpu.barrier barrier_id(%barrier3A)
    %sub3A = arith.constant 2500 : i32
    %sub3A_18 = arith.subi %sub3A, %add3A : i32
    %add3A_19 = arith.constant 32 : i32
    %add3A_20 = arith.addi %sub3A_18, %add3A_19 : i32
    %sub3A_21 = arith.constant 1 : i32
    %sub3A_22 = arith.subi %add3A_20, %sub3A_21 : i32
    %jit3A = arith.constant 32 : i32
    %div3A = arith.divsi %sub3A_22, %jit3A : i32
    %sign3A = arith.constant 0 : i32
    %sign3A_23 = arith.cmpi sgt, %sub3A_22, %sign3A : i32
    %sign3A_24 = arith.extui %sign3A_23 : i1 to i32
    %sign3A_25 = arith.constant 0 : i32
    %sign3A_26 = arith.cmpi slt, %sub3A_22, %sign3A_25 : i32
    %sign3A_27 = arith.extui %sign3A_26 : i1 to i32
    %sign3A_28 = arith.subi %sign3A_24, %sign3A_27 : i32
    %sign3A_29 = arith.constant 0 : i32
    %sign3A_30 = arith.cmpi sgt, %jit3A, %sign3A_29 : i32
    %sign3A_31 = arith.extui %sign3A_30 : i1 to i32
    %sign3A_32 = arith.constant 0 : i32
    %sign3A_33 = arith.cmpi slt, %jit3A, %sign3A_32 : i32
    %sign3A_34 = arith.extui %sign3A_33 : i1 to i32
    %sign3A_35 = arith.subi %sign3A_31, %sign3A_34 : i32
    %ne3A = arith.cmpi ne, %sign3A_28, %sign3A_35 : i32
    %rem3A = arith.remsi %sub3A_22, %jit3A : i32
    %ne3A_36 = arith.constant 0 : i32
    %ne3A_37 = arith.cmpi ne, %rem3A, %ne3A_36 : i32
    %and3A = arith.andi %ne3A, %ne3A_37 : i1
    %sub3A_38 = arith.constant 1 : i32
    %sub3A_39 = arith.subi %div3A, %sub3A_38 : i32
    %select_n3A = arith.select %and3A, %sub3A_39, %div3A : i32
    %while3A = arith.constant 0 : i32
    %while3A_40 = arith.constant 0 : i32
    %while3A_41 = arith.subi %select_n3A, %while3A_40 : i32
    %while3A_42 = arith.addi %while3A_40, %while3A_41 : i32
    %while3A_43 = arith.constant 1 : i32
    %while3A_44 = arith.divsi %while3A_41, %while3A_43 : i32
    %while3A_45 = arith.muli %while3A_44, %while3A_43 : i32
    %while3A_46 = arith.addi %while3A_40, %while3A_45 : i32
    %while3A_47 = arith.constant 1 : i32
    scf.for %while3A_73 = %while3A_40 to %while3A_46 step %while3A_47  : i32 {
      %mul3A_74 = arith.constant 32 : i32
      %mul3A_75 = arith.muli %while3A_73, %mul3A_74 : i32
      %add3A_76 = arith.addi %add3A, %mul3A_75 : i32
      %mul3A_77 = arith.constant 128 : i32
      %mul3A_78 = arith.muli %add3A_76, %mul3A_77 : i32
      "tpu.region"() ({
        %run_scoped3A = tpu.sem_alloc : memref<!tpu.dma_semaphore, #tpu.memory_space<semaphore_mem>>
        %dma_start3A_83 = tpu.memref_slice %arg3[%mul3A_78] : memref<320000xi32, #tpu.memory_space<hbm>> -> memref<128xi32, #tpu.memory_space<hbm>>
        %dma_start3A_84 = tpu.memref_slice %arg3[%mul3A_78] : memref<320000xi32, #tpu.memory_space<hbm>> -> memref<128xi32, #tpu.memory_space<hbm>>
        tpu.enqueue_dma source(%dma_start3A_84 : memref<128xi32, #tpu.memory_space<hbm>>) target(%arg7 : memref<128xi32, #tpu.memory_space<vmem>>) target_semaphore(%run_scoped3A : memref<!tpu.dma_semaphore, #tpu.memory_space<semaphore_mem>>)
        %dma_wait3A_85 = tpu.memref_slice %arg3[%mul3A_78] : memref<320000xi32, #tpu.memory_space<hbm>> -> memref<128xi32, #tpu.memory_space<hbm>>
        %dma_wait3A_86 = tpu.memref_slice %arg3[%mul3A_78] : memref<320000xi32, #tpu.memory_space<hbm>> -> memref<128xi32, #tpu.memory_space<hbm>>
        tpu.wait_dma2 semaphore(%run_scoped3A : memref<!tpu.dma_semaphore, #tpu.memory_space<semaphore_mem>>) src(%dma_wait3A_86 : memref<128xi32, #tpu.memory_space<hbm>>) dst(%arg7 : memref<128xi32, #tpu.memory_space<vmem>>)
        tpu.yield
      }) : () -> ()
      "tpu.region"() ({
        %run_scoped3A = tpu.sem_alloc : memref<!tpu.dma_semaphore, #tpu.memory_space<semaphore_mem>>
        %dma_start3A_83 = tpu.memref_slice %arg4[%mul3A_78] : memref<320000xi32, #tpu.memory_space<hbm>> -> memref<128xi32, #tpu.memory_space<hbm>>
        %dma_start3A_84 = tpu.memref_slice %arg4[%mul3A_78] : memref<320000xi32, #tpu.memory_space<hbm>> -> memref<128xi32, #tpu.memory_space<hbm>>
        tpu.enqueue_dma source(%dma_start3A_84 : memref<128xi32, #tpu.memory_space<hbm>>) target(%arg8 : memref<128xi32, #tpu.memory_space<vmem>>) target_semaphore(%run_scoped3A : memref<!tpu.dma_semaphore, #tpu.memory_space<semaphore_mem>>)
        %dma_wait3A_85 = tpu.memref_slice %arg4[%mul3A_78] : memref<320000xi32, #tpu.memory_space<hbm>> -> memref<128xi32, #tpu.memory_space<hbm>>
        %dma_wait3A_86 = tpu.memref_slice %arg4[%mul3A_78] : memref<320000xi32, #tpu.memory_space<hbm>> -> memref<128xi32, #tpu.memory_space<hbm>>
        tpu.wait_dma2 semaphore(%run_scoped3A : memref<!tpu.dma_semaphore, #tpu.memory_space<semaphore_mem>>) src(%dma_wait3A_86 : memref<128xi32, #tpu.memory_space<hbm>>) dst(%arg8 : memref<128xi32, #tpu.memory_space<vmem>>)
        tpu.yield
      }) : () -> ()
      %dma_start3A = arith.constant 0 : i32
      %dma_start3A_79 = arith.constant 0 : i32
      %dma_start3A_80 = tpu.memref_slice %arg2[%dma_start3A, %dma_start3A_79] : memref<10240x128xf32, #tpu.memory_space<hbm>> -> memref<10240x128xf32, #tpu.memory_space<hbm>>
      tpu.enqueue_indirect_dma source(%dma_start3A_80 : memref<10240x128xf32, #tpu.memory_space<hbm>>) target(%arg9 : memref<128x128xf32, #tpu.memory_space<vmem>>) offsets(%arg7 : memref<128xi32, #tpu.memory_space<vmem>>) semaphore(%arg10 : memref<!tpu.dma_semaphore, #tpu.memory_space<semaphore_mem>>)
      %dma_wait3A = arith.constant 0 : i32
      %dma_wait3A_81 = arith.constant 0 : i32
      %dma_wait3A_82 = tpu.memref_slice %arg2[%dma_wait3A, %dma_wait3A_81] : memref<10240x128xf32, #tpu.memory_space<hbm>> -> memref<10240x128xf32, #tpu.memory_space<hbm>>
      tpu.wait_indirect_dma semaphore(%arg10 : memref<!tpu.dma_semaphore, #tpu.memory_space<semaphore_mem>>) src(%dma_wait3A_82 : memref<10240x128xf32, #tpu.memory_space<hbm>>) dst(%arg9 : memref<128x128xf32, #tpu.memory_space<vmem>>)
      "tpu.region"() ({
        %run_scoped3A = tpu.sem_alloc : memref<!tpu.dma_semaphore, #tpu.memory_space<semaphore_mem>>
        %dma_start3A_83 = arith.constant 0 : i32
        %dma_start3A_84 = arith.constant 0 : i32
        %dma_start3A_85 = tpu.memref_slice %arg6[%dma_start3A_83, %dma_start3A_84] : memref<10240x128xf32, #tpu.memory_space<vmem_shared>> -> memref<10240x128xf32, #tpu.memory_space<vmem_shared>>
        tpu.enqueue_indirect_dma source(%arg9 : memref<128x128xf32, #tpu.memory_space<vmem>>) target(%dma_start3A_85 : memref<10240x128xf32, #tpu.memory_space<vmem_shared>>) offsets(%arg8 : memref<128xi32, #tpu.memory_space<vmem>>) semaphore(%run_scoped3A : memref<!tpu.dma_semaphore, #tpu.memory_space<semaphore_mem>>) {add = true}
        %dma_wait3A_86 = arith.constant 0 : i32
        %dma_wait3A_87 = arith.constant 0 : i32
        %dma_wait3A_88 = tpu.memref_slice %arg6[%dma_wait3A_86, %dma_wait3A_87] : memref<10240x128xf32, #tpu.memory_space<vmem_shared>> -> memref<10240x128xf32, #tpu.memory_space<vmem_shared>>
        tpu.wait_indirect_dma semaphore(%run_scoped3A : memref<!tpu.dma_semaphore, #tpu.memory_space<semaphore_mem>>) src(%arg9 : memref<128x128xf32, #tpu.memory_space<vmem>>) dst(%dma_wait3A_88 : memref<10240x128xf32, #tpu.memory_space<vmem_shared>>)
        tpu.yield
      }) : () -> ()
    }
    %while3A_48 = arith.constant 1 : i32
    scf.for %while3A_73 = %while3A_46 to %while3A_42 step %while3A_48  : i32 {
      %mul3A_74 = arith.constant 32 : i32
      %mul3A_75 = arith.muli %while3A_73, %mul3A_74 : i32
      %add3A_76 = arith.addi %add3A, %mul3A_75 : i32
      %mul3A_77 = arith.constant 128 : i32
      %mul3A_78 = arith.muli %add3A_76, %mul3A_77 : i32
      "tpu.region"() ({
        %run_scoped3A = tpu.sem_alloc : memref<!tpu.dma_semaphore, #tpu.memory_space<semaphore_mem>>
        %dma_start3A_83 = tpu.memref_slice %arg3[%mul3A_78] : memref<320000xi32, #tpu.memory_space<hbm>> -> memref<128xi32, #tpu.memory_space<hbm>>
        %dma_start3A_84 = tpu.memref_slice %arg3[%mul3A_78] : memref<320000xi32, #tpu.memory_space<hbm>> -> memref<128xi32, #tpu.memory_space<hbm>>
        tpu.enqueue_dma source(%dma_start3A_84 : memref<128xi32, #tpu.memory_space<hbm>>) target(%arg7 : memref<128xi32, #tpu.memory_space<vmem>>) target_semaphore(%run_scoped3A : memref<!tpu.dma_semaphore, #tpu.memory_space<semaphore_mem>>)
        %dma_wait3A_85 = tpu.memref_slice %arg3[%mul3A_78] : memref<320000xi32, #tpu.memory_space<hbm>> -> memref<128xi32, #tpu.memory_space<hbm>>
        %dma_wait3A_86 = tpu.memref_slice %arg3[%mul3A_78] : memref<320000xi32, #tpu.memory_space<hbm>> -> memref<128xi32, #tpu.memory_space<hbm>>
        tpu.wait_dma2 semaphore(%run_scoped3A : memref<!tpu.dma_semaphore, #tpu.memory_space<semaphore_mem>>) src(%dma_wait3A_86 : memref<128xi32, #tpu.memory_space<hbm>>) dst(%arg7 : memref<128xi32, #tpu.memory_space<vmem>>)
        tpu.yield
      }) : () -> ()
      "tpu.region"() ({
        %run_scoped3A = tpu.sem_alloc : memref<!tpu.dma_semaphore, #tpu.memory_space<semaphore_mem>>
        %dma_start3A_83 = tpu.memref_slice %arg4[%mul3A_78] : memref<320000xi32, #tpu.memory_space<hbm>> -> memref<128xi32, #tpu.memory_space<hbm>>
        %dma_start3A_84 = tpu.memref_slice %arg4[%mul3A_78] : memref<320000xi32, #tpu.memory_space<hbm>> -> memref<128xi32, #tpu.memory_space<hbm>>
        tpu.enqueue_dma source(%dma_start3A_84 : memref<128xi32, #tpu.memory_space<hbm>>) target(%arg8 : memref<128xi32, #tpu.memory_space<vmem>>) target_semaphore(%run_scoped3A : memref<!tpu.dma_semaphore, #tpu.memory_space<semaphore_mem>>)
        %dma_wait3A_85 = tpu.memref_slice %arg4[%mul3A_78] : memref<320000xi32, #tpu.memory_space<hbm>> -> memref<128xi32, #tpu.memory_space<hbm>>
        %dma_wait3A_86 = tpu.memref_slice %arg4[%mul3A_78] : memref<320000xi32, #tpu.memory_space<hbm>> -> memref<128xi32, #tpu.memory_space<hbm>>
        tpu.wait_dma2 semaphore(%run_scoped3A : memref<!tpu.dma_semaphore, #tpu.memory_space<semaphore_mem>>) src(%dma_wait3A_86 : memref<128xi32, #tpu.memory_space<hbm>>) dst(%arg8 : memref<128xi32, #tpu.memory_space<vmem>>)
        tpu.yield
      }) : () -> ()
      %dma_start3A = arith.constant 0 : i32
      %dma_start3A_79 = arith.constant 0 : i32
      %dma_start3A_80 = tpu.memref_slice %arg2[%dma_start3A, %dma_start3A_79] : memref<10240x128xf32, #tpu.memory_space<hbm>> -> memref<10240x128xf32, #tpu.memory_space<hbm>>
      tpu.enqueue_indirect_dma source(%dma_start3A_80 : memref<10240x128xf32, #tpu.memory_space<hbm>>) target(%arg9 : memref<128x128xf32, #tpu.memory_space<vmem>>) offsets(%arg7 : memref<128xi32, #tpu.memory_space<vmem>>) semaphore(%arg10 : memref<!tpu.dma_semaphore, #tpu.memory_space<semaphore_mem>>)
      %dma_wait3A = arith.constant 0 : i32
      %dma_wait3A_81 = arith.constant 0 : i32
      %dma_wait3A_82 = tpu.memref_slice %arg2[%dma_wait3A, %dma_wait3A_81] : memref<10240x128xf32, #tpu.memory_space<hbm>> -> memref<10240x128xf32, #tpu.memory_space<hbm>>
      tpu.wait_indirect_dma semaphore(%arg10 : memref<!tpu.dma_semaphore, #tpu.memory_space<semaphore_mem>>) src(%dma_wait3A_82 : memref<10240x128xf32, #tpu.memory_space<hbm>>) dst(%arg9 : memref<128x128xf32, #tpu.memory_space<vmem>>)
      "tpu.region"() ({
        %run_scoped3A = tpu.sem_alloc : memref<!tpu.dma_semaphore, #tpu.memory_space<semaphore_mem>>
        %dma_start3A_83 = arith.constant 0 : i32
        %dma_start3A_84 = arith.constant 0 : i32
        %dma_start3A_85 = tpu.memref_slice %arg6[%dma_start3A_83, %dma_start3A_84] : memref<10240x128xf32, #tpu.memory_space<vmem_shared>> -> memref<10240x128xf32, #tpu.memory_space<vmem_shared>>
        tpu.enqueue_indirect_dma source(%arg9 : memref<128x128xf32, #tpu.memory_space<vmem>>) target(%dma_start3A_85 : memref<10240x128xf32, #tpu.memory_space<vmem_shared>>) offsets(%arg8 : memref<128xi32, #tpu.memory_space<vmem>>) semaphore(%run_scoped3A : memref<!tpu.dma_semaphore, #tpu.memory_space<semaphore_mem>>) {add = true}
        %dma_wait3A_86 = arith.constant 0 : i32
        %dma_wait3A_87 = arith.constant 0 : i32
        %dma_wait3A_88 = tpu.memref_slice %arg6[%dma_wait3A_86, %dma_wait3A_87] : memref<10240x128xf32, #tpu.memory_space<vmem_shared>> -> memref<10240x128xf32, #tpu.memory_space<vmem_shared>>
        tpu.wait_indirect_dma semaphore(%run_scoped3A : memref<!tpu.dma_semaphore, #tpu.memory_space<semaphore_mem>>) src(%arg9 : memref<128x128xf32, #tpu.memory_space<vmem>>) dst(%dma_wait3A_88 : memref<10240x128xf32, #tpu.memory_space<vmem_shared>>)
        tpu.yield
      }) : () -> ()
    }
    %barrier3A_49 = arith.constant 0 : index
    tpu.barrier barrier_id(%barrier3A_49)
    %mul3A_50 = arith.constant 10240 : i32
    %mul3A_51 = arith.muli %arg0, %mul3A_50 : i32
    %add3A_52 = arith.addi %mul3A_51, %mul3A_2 : i32
    %add3A_53 = arith.constant 0 : i32
    %add3A_54 = arith.addi %mul3A_2, %add3A_53 : i32
    %add3A_55 = arith.constant 0 : i32
    %add3A_56 = arith.addi %add3A_52, %add3A_55 : i32
    "tpu.region"() ({
      %run_scoped3A = tpu.sem_alloc : memref<!tpu.dma_semaphore, #tpu.memory_space<semaphore_mem>>
      %dma_start3A = arith.constant 0 : i32
      %dma_start3A_73 = tpu.memref_slice %arg5[%add3A_56, %dma_start3A] : memref<20480x128xf32, #tpu.memory_space<hbm>> -> memref<128x128xf32, #tpu.memory_space<hbm>>
      %dma_start3A_74 = arith.constant 0 : i32
      %dma_start3A_75 = tpu.memref_slice %arg6[%add3A_54, %dma_start3A_74] : memref<10240x128xf32, #tpu.memory_space<vmem_shared>> -> memref<128x128xf32, #tpu.memory_space<vmem_shared>>
      tpu.enqueue_dma source(%dma_start3A_75 : memref<128x128xf32, #tpu.memory_space<vmem_shared>>) target(%dma_start3A_73 : memref<128x128xf32, #tpu.memory_space<hbm>>) target_semaphore(%run_scoped3A : memref<!tpu.dma_semaphore, #tpu.memory_space<semaphore_mem>>)
      %dma_wait3A = arith.constant 0 : i32
      %dma_wait3A_76 = tpu.memref_slice %arg5[%add3A_56, %dma_wait3A] : memref<20480x128xf32, #tpu.memory_space<hbm>> -> memref<128x128xf32, #tpu.memory_space<hbm>>
      %dma_wait3A_77 = arith.constant 0 : i32
      %dma_wait3A_78 = tpu.memref_slice %arg6[%add3A_54, %dma_wait3A_77] : memref<10240x128xf32, #tpu.memory_space<vmem_shared>> -> memref<128x128xf32, #tpu.memory_space<vmem_shared>>
      tpu.wait_dma2 semaphore(%run_scoped3A : memref<!tpu.dma_semaphore, #tpu.memory_space<semaphore_mem>>) src(%dma_wait3A_78 : memref<128x128xf32, #tpu.memory_space<vmem_shared>>) dst(%dma_wait3A_76 : memref<128x128xf32, #tpu.memory_space<hbm>>)
      tpu.yield
    }) : () -> ()
    %add3A_57 = arith.constant 128 : i32
    %add3A_58 = arith.addi %mul3A_2, %add3A_57 : i32
    %add3A_59 = arith.constant 128 : i32
    %add3A_60 = arith.addi %add3A_52, %add3A_59 : i32
    "tpu.region"() ({
      %run_scoped3A = tpu.sem_alloc : memref<!tpu.dma_semaphore, #tpu.memory_space<semaphore_mem>>
      %dma_start3A = arith.constant 0 : i32
      %dma_start3A_73 = tpu.memref_slice %arg5[%add3A_60, %dma_start3A] : memref<20480x128xf32, #tpu.memory_space<hbm>> -> memref<128x128xf32, #tpu.memory_space<hbm>>
      %dma_start3A_74 = arith.constant 0 : i32
      %dma_start3A_75 = tpu.memref_slice %arg6[%add3A_58, %dma_start3A_74] : memref<10240x128xf32, #tpu.memory_space<vmem_shared>> -> memref<128x128xf32, #tpu.memory_space<vmem_shared>>
      tpu.enqueue_dma source(%dma_start3A_75 : memref<128x128xf32, #tpu.memory_space<vmem_shared>>) target(%dma_start3A_73 : memref<128x128xf32, #tpu.memory_space<hbm>>) target_semaphore(%run_scoped3A : memref<!tpu.dma_semaphore, #tpu.memory_space<semaphore_mem>>)
      %dma_wait3A = arith.constant 0 : i32
      %dma_wait3A_76 = tpu.memref_slice %arg5[%add3A_60, %dma_wait3A] : memref<20480x128xf32, #tpu.memory_space<hbm>> -> memref<128x128xf32, #tpu.memory_space<hbm>>
      %dma_wait3A_77 = arith.constant 0 : i32
      %dma_wait3A_78 = tpu.memref_slice %arg6[%add3A_58, %dma_wait3A_77] : memref<10240x128xf32, #tpu.memory_space<vmem_shared>> -> memref<128x128xf32, #tpu.memory_space<vmem_shared>>
      tpu.wait_dma2 semaphore(%run_scoped3A : memref<!tpu.dma_semaphore, #tpu.memory_space<semaphore_mem>>) src(%dma_wait3A_78 : memref<128x128xf32, #tpu.memory_space<vmem_shared>>) dst(%dma_wait3A_76 : memref<128x128xf32, #tpu.memory_space<hbm>>)
      tpu.yield
    }) : () -> ()
    %add3A_61 = arith.constant 256 : i32
    %add3A_62 = arith.addi %mul3A_2, %add3A_61 : i32
    %add3A_63 = arith.constant 256 : i32
    %add3A_64 = arith.addi %add3A_52, %add3A_63 : i32
    "tpu.region"() ({
      %run_scoped3A = tpu.sem_alloc : memref<!tpu.dma_semaphore, #tpu.memory_space<semaphore_mem>>
      %dma_start3A = arith.constant 0 : i32
      %dma_start3A_73 = tpu.memref_slice %arg5[%add3A_64, %dma_start3A] : memref<20480x128xf32, #tpu.memory_space<hbm>> -> memref<128x128xf32, #tpu.memory_space<hbm>>
      %dma_start3A_74 = arith.constant 0 : i32
      %dma_start3A_75 = tpu.memref_slice %arg6[%add3A_62, %dma_start3A_74] : memref<10240x128xf32, #tpu.memory_space<vmem_shared>> -> memref<128x128xf32, #tpu.memory_space<vmem_shared>>
      tpu.enqueue_dma source(%dma_start3A_75 : memref<128x128xf32, #tpu.memory_space<vmem_shared>>) target(%dma_start3A_73 : memref<128x128xf32, #tpu.memory_space<hbm>>) target_semaphore(%run_scoped3A : memref<!tpu.dma_semaphore, #tpu.memory_space<semaphore_mem>>)
      %dma_wait3A = arith.constant 0 : i32
      %dma_wait3A_76 = tpu.memref_slice %arg5[%add3A_64, %dma_wait3A] : memref<20480x128xf32, #tpu.memory_space<hbm>> -> memref<128x128xf32, #tpu.memory_space<hbm>>
      %dma_wait3A_77 = arith.constant 0 : i32
      %dma_wait3A_78 = tpu.memref_slice %arg6[%add3A_62, %dma_wait3A_77] : memref<10240x128xf32, #tpu.memory_space<vmem_shared>> -> memref<128x128xf32, #tpu.memory_space<vmem_shared>>
      tpu.wait_dma2 semaphore(%run_scoped3A : memref<!tpu.dma_semaphore, #tpu.memory_space<semaphore_mem>>) src(%dma_wait3A_78 : memref<128x128xf32, #tpu.memory_space<vmem_shared>>) dst(%dma_wait3A_76 : memref<128x128xf32, #tpu.memory_space<hbm>>)
      tpu.yield
    }) : () -> ()
    %add3A_65 = arith.constant 384 : i32
    %add3A_66 = arith.addi %mul3A_2, %add3A_65 : i32
    %add3A_67 = arith.constant 384 : i32
    %add3A_68 = arith.addi %add3A_52, %add3A_67 : i32
    "tpu.region"() ({
      %run_scoped3A = tpu.sem_alloc : memref<!tpu.dma_semaphore, #tpu.memory_space<semaphore_mem>>
      %dma_start3A = arith.constant 0 : i32
      %dma_start3A_73 = tpu.memref_slice %arg5[%add3A_68, %dma_start3A] : memref<20480x128xf32, #tpu.memory_space<hbm>> -> memref<128x128xf32, #tpu.memory_space<hbm>>
      %dma_start3A_74 = arith.constant 0 : i32
      %dma_start3A_75 = tpu.memref_slice %arg6[%add3A_66, %dma_start3A_74] : memref<10240x128xf32, #tpu.memory_space<vmem_shared>> -> memref<128x128xf32, #tpu.memory_space<vmem_shared>>
      tpu.enqueue_dma source(%dma_start3A_75 : memref<128x128xf32, #tpu.memory_space<vmem_shared>>) target(%dma_start3A_73 : memref<128x128xf32, #tpu.memory_space<hbm>>) target_semaphore(%run_scoped3A : memref<!tpu.dma_semaphore, #tpu.memory_space<semaphore_mem>>)
      %dma_wait3A = arith.constant 0 : i32
      %dma_wait3A_76 = tpu.memref_slice %arg5[%add3A_68, %dma_wait3A] : memref<20480x128xf32, #tpu.memory_space<hbm>> -> memref<128x128xf32, #tpu.memory_space<hbm>>
      %dma_wait3A_77 = arith.constant 0 : i32
      %dma_wait3A_78 = tpu.memref_slice %arg6[%add3A_66, %dma_wait3A_77] : memref<10240x128xf32, #tpu.memory_space<vmem_shared>> -> memref<128x128xf32, #tpu.memory_space<vmem_shared>>
      tpu.wait_dma2 semaphore(%run_scoped3A : memref<!tpu.dma_semaphore, #tpu.memory_space<semaphore_mem>>) src(%dma_wait3A_78 : memref<128x128xf32, #tpu.memory_space<vmem_shared>>) dst(%dma_wait3A_76 : memref<128x128xf32, #tpu.memory_space<hbm>>)
      tpu.yield
    }) : () -> ()
    %add3A_69 = arith.constant 512 : i32
    %add3A_70 = arith.addi %mul3A_2, %add3A_69 : i32
    %add3A_71 = arith.constant 512 : i32
    %add3A_72 = arith.addi %add3A_52, %add3A_71 : i32
    "tpu.region"() ({
      %run_scoped3A = tpu.sem_alloc : memref<!tpu.dma_semaphore, #tpu.memory_space<semaphore_mem>>
      %dma_start3A = arith.constant 0 : i32
      %dma_start3A_73 = tpu.memref_slice %arg5[%add3A_72, %dma_start3A] : memref<20480x128xf32, #tpu.memory_space<hbm>> -> memref<128x128xf32, #tpu.memory_space<hbm>>
      %dma_start3A_74 = arith.constant 0 : i32
      %dma_start3A_75 = tpu.memref_slice %arg6[%add3A_70, %dma_start3A_74] : memref<10240x128xf32, #tpu.memory_space<vmem_shared>> -> memref<128x128xf32, #tpu.memory_space<vmem_shared>>
      tpu.enqueue_dma source(%dma_start3A_75 : memref<128x128xf32, #tpu.memory_space<vmem_shared>>) target(%dma_start3A_73 : memref<128x128xf32, #tpu.memory_space<hbm>>) target_semaphore(%run_scoped3A : memref<!tpu.dma_semaphore, #tpu.memory_space<semaphore_mem>>)
      %dma_wait3A = arith.constant 0 : i32
      %dma_wait3A_76 = tpu.memref_slice %arg5[%add3A_72, %dma_wait3A] : memref<20480x128xf32, #tpu.memory_space<hbm>> -> memref<128x128xf32, #tpu.memory_space<hbm>>
      %dma_wait3A_77 = arith.constant 0 : i32
      %dma_wait3A_78 = tpu.memref_slice %arg6[%add3A_70, %dma_wait3A_77] : memref<10240x128xf32, #tpu.memory_space<vmem_shared>> -> memref<128x128xf32, #tpu.memory_space<vmem_shared>>
      tpu.wait_dma2 semaphore(%run_scoped3A : memref<!tpu.dma_semaphore, #tpu.memory_space<semaphore_mem>>) src(%dma_wait3A_78 : memref<128x128xf32, #tpu.memory_space<vmem_shared>>) dst(%dma_wait3A_76 : memref<128x128xf32, #tpu.memory_space<hbm>>)
      tpu.yield
    }) : () -> ()
    return
  }
}

module attributes {stable_mosaic.version = 14 : i64} {
  func.func @_tc_body(%arg0: i32, %arg1: memref<2048x128xf32, #tpu.memory_space<vmem>>, %arg2: memref<2048x128xf32, #tpu.memory_space<vmem>>, %arg3: memref<32x2048xf32, #tpu.memory_space<vmem>>, %arg4: memref<2048x128xf32, #tpu.memory_space<vmem>>, %arg5: memref<128x128xf32, #tpu.memory_space<vmem>>, %arg6: memref<1x128xf32, #tpu.memory_space<vmem>>, %arg7: memref<128x128xf32, #tpu.memory_space<vmem>>, %arg8: memref<2048x128xf32, #tpu.memory_space<vmem>>) attributes {dimension_semantics = [#tpu.dimension_semantics<arbitrary>], iteration_bounds = array<i64: 5>, scalar_prefetch = 0 : i64, scratch_operands = 0 : i64, tpu.core_type = #tpu.core_type<tc>, window_params = [{transform_indices = @transform_0, window_bounds = array<i64: 2048, 128>}, {transform_indices = @transform_1, window_bounds = array<i64: 2048, 128>}, {transform_indices = @transform_2, window_bounds = array<i64: 32, 2048>}, {transform_indices = @transform_3, window_bounds = array<i64: 2048, 128>}, {pipeline_mode = #tpu.pipeline_mode<synchronous>, transform_indices = @transform_4, window_bounds = array<i64: 128, 128>}, {pipeline_mode = #tpu.pipeline_mode<synchronous>, transform_indices = @transform_5, window_bounds = array<i64: 1, 128>}, {pipeline_mode = #tpu.pipeline_mode<synchronous>, transform_indices = @transform_6, window_bounds = array<i64: 128, 128>}, {transform_indices = @transform_7, window_bounds = array<i64: 2048, 128>}]} {
    %get3A = arith.constant 0 : index
    %get3A_0 = arith.constant 0 : index
    %get3A_1 = vector.load %arg1[%get3A, %get3A_0] : memref<2048x128xf32, #tpu.memory_space<vmem>>, vector<2048x128xf32>
    %get3A_2 = arith.constant 0 : index
    %get3A_3 = arith.constant 0 : index
    %get3A_4 = vector.load %arg2[%get3A_2, %get3A_3] : memref<2048x128xf32, #tpu.memory_space<vmem>>, vector<2048x128xf32>
    %add3A = arith.addf %get3A_1, %get3A_4 : vector<2048x128xf32>
    %get3A_5 = arith.constant 0 : index
    %get3A_6 = arith.constant 0 : index
    %get3A_7 = vector.load %arg3[%get3A_5, %get3A_6] : memref<32x2048xf32, #tpu.memory_space<vmem>>, vector<32x2048xf32>
    %reduce_sum3A = arith.constant dense<0.000000e+00> : vector<2048xf32>
    %reduce_sum3A_8 = vector.multi_reduction <add>, %get3A_7, %reduce_sum3A [0] : vector<32x2048xf32> to vector<2048xf32>
    %broadcast_in_dim3A = vector.shape_cast %reduce_sum3A_8 : vector<2048xf32> to vector<2048x1xf32>
    %max3A = arith.constant 1.000000e+00 : f32
    %max3A_9 = vector.broadcast %max3A : f32 to vector<2048x1xf32>
    %max3A_10 = arith.maximumf %broadcast_in_dim3A, %max3A_9 : vector<2048x1xf32>
    %div3A = vector.broadcast %max3A_10 : vector<2048x1xf32> to vector<2048x128xf32>
    %div3A_11 = arith.divf %add3A, %div3A : vector<2048x128xf32>
    %get3A_12 = arith.constant 0 : index
    %get3A_13 = arith.constant 0 : index
    %get3A_14 = vector.load %arg5[%get3A_12, %get3A_13] : memref<128x128xf32, #tpu.memory_space<vmem>>, vector<128x128xf32>
    %dot_general3A = arith.constant dense<0.000000e+00> : vector<2048x128xf32>
    %dot_general3A_15 = tpu.matmul %div3A_11, %get3A_14, %dot_general3A {dimension_numbers = #tpu.dot_dimension_numbers<[1], [0], [0], [1], [0, 0, 1, 1], [], []>, precision = #tpu.contract_precision<fp32>, transpose_lhs_hint = false} : vector<2048x128xf32>, vector<128x128xf32>, vector<2048x128xf32> -> vector<2048x128xf32>
    %get3A_16 = arith.constant 0 : index
    %get3A_17 = arith.constant 0 : index
    %get3A_18 = vector.load %arg6[%get3A_16, %get3A_17] : memref<1x128xf32, #tpu.memory_space<vmem>>, vector<1x128xf32>
    %add3A_19 = vector.broadcast %get3A_18 : vector<1x128xf32> to vector<2048x128xf32>
    %add3A_20 = arith.addf %dot_general3A_15, %add3A_19 : vector<2048x128xf32>
    %get3A_21 = arith.constant 0 : index
    %get3A_22 = arith.constant 0 : index
    %get3A_23 = vector.load %arg4[%get3A_21, %get3A_22] : memref<2048x128xf32, #tpu.memory_space<vmem>>, vector<2048x128xf32>
    %get3A_24 = arith.constant 0 : index
    %get3A_25 = arith.constant 0 : index
    %get3A_26 = vector.load %arg7[%get3A_24, %get3A_25] : memref<128x128xf32, #tpu.memory_space<vmem>>, vector<128x128xf32>
    %dot_general3A_27 = arith.constant dense<0.000000e+00> : vector<2048x128xf32>
    %dot_general3A_28 = tpu.matmul %get3A_23, %get3A_26, %dot_general3A_27 {dimension_numbers = #tpu.dot_dimension_numbers<[1], [0], [0], [1], [0, 0, 1, 1], [], []>, precision = #tpu.contract_precision<fp32>, transpose_lhs_hint = false} : vector<2048x128xf32>, vector<128x128xf32>, vector<2048x128xf32> -> vector<2048x128xf32>
    %add3A_29 = arith.addf %add3A_20, %dot_general3A_28 : vector<2048x128xf32>
    %max3A_30 = arith.constant 0.000000e+00 : f32
    %max3A_31 = vector.broadcast %max3A_30 : f32 to vector<2048x128xf32>
    %max3A_32 = arith.maximumf %add3A_29, %max3A_31 : vector<2048x128xf32>
    %swap3A = arith.constant 0 : index
    %swap3A_33 = arith.constant 0 : index
    %swap3A_34 = vector.load %arg8[%swap3A, %swap3A_33] : memref<2048x128xf32, #tpu.memory_space<vmem>>, vector<2048x128xf32>
    tpu.vector_store %arg8[%swap3A, %swap3A_33], %max3A_32 {strides = array<i32>} : memref<2048x128xf32, #tpu.memory_space<vmem>>, vector<2048x128xf32>,
    return
  }
  func.func @transform_0(%arg0: i32) -> (i32, i32) {
    %c0_i32 = arith.constant 0 : i32
    %c0_i32_0 = arith.constant 0 : i32
    return %arg0, %c0_i32 : i32, i32
  }
  func.func @transform_1(%arg0: i32) -> (i32, i32) {
    %add3A = arith.constant 5 : i32
    %add3A_0 = arith.addi %arg0, %add3A : i32
    %c0_i32 = arith.constant 0 : i32
    %c0_i32_1 = arith.constant 0 : i32
    return %add3A_0, %c0_i32 : i32, i32
  }
  func.func @transform_2(%arg0: i32) -> (i32, i32) {
    %c0_i32 = arith.constant 0 : i32
    %c0_i32_0 = arith.constant 0 : i32
    return %c0_i32, %arg0 : i32, i32
  }
  func.func @transform_3(%arg0: i32) -> (i32, i32) {
    %c0_i32 = arith.constant 0 : i32
    %c0_i32_0 = arith.constant 0 : i32
    return %arg0, %c0_i32 : i32, i32
  }
  func.func @transform_4(%arg0: i32) -> (i32, i32) {
    %c0_i32 = arith.constant 0 : i32
    %c0_i32_0 = arith.constant 0 : i32
    %c0_i32_1 = arith.constant 0 : i32
    return %c0_i32, %c0_i32_0 : i32, i32
  }
  func.func @transform_5(%arg0: i32) -> (i32, i32) {
    %c0_i32 = arith.constant 0 : i32
    %c0_i32_0 = arith.constant 0 : i32
    %c0_i32_1 = arith.constant 0 : i32
    return %c0_i32, %c0_i32_0 : i32, i32
  }
  func.func @transform_6(%arg0: i32) -> (i32, i32) {
    %c0_i32 = arith.constant 0 : i32
    %c0_i32_0 = arith.constant 0 : i32
    %c0_i32_1 = arith.constant 0 : i32
    return %c0_i32, %c0_i32_0 : i32, i32
  }
  func.func @transform_7(%arg0: i32) -> (i32, i32) {
    %c0_i32 = arith.constant 0 : i32
    %c0_i32_0 = arith.constant 0 : i32
    return %arg0, %c0_i32 : i32, i32
  }
}

module attributes {stable_mosaic.version = 14 : i64} {
  func.func @_tc_body(%arg0: i32, %arg1: memref<2048x128xf32, #tpu.memory_space<vmem>>, %arg2: memref<2048x128xf32, #tpu.memory_space<vmem>>, %arg3: memref<32x2048xf32, #tpu.memory_space<vmem>>, %arg4: memref<2048x128xf32, #tpu.memory_space<vmem>>, %arg5: memref<128x128xf32, #tpu.memory_space<vmem>>, %arg6: memref<1x128xf32, #tpu.memory_space<vmem>>, %arg7: memref<128x128xf32, #tpu.memory_space<vmem>>, %arg8: memref<2048x128xf32, #tpu.memory_space<vmem>>) attributes {dimension_semantics = [#tpu.dimension_semantics<arbitrary>], iteration_bounds = array<i64: 5>, scalar_prefetch = 0 : i64, scratch_operands = 0 : i64, tpu.core_type = #tpu.core_type<tc>, window_params = [{transform_indices = @transform_0, window_bounds = array<i64: 2048, 128>}, {transform_indices = @transform_1, window_bounds = array<i64: 2048, 128>}, {transform_indices = @transform_2, window_bounds = array<i64: 32, 2048>}, {transform_indices = @transform_3, window_bounds = array<i64: 2048, 128>}, {pipeline_mode = #tpu.pipeline_mode<synchronous>, transform_indices = @transform_4, window_bounds = array<i64: 128, 128>}, {pipeline_mode = #tpu.pipeline_mode<synchronous>, transform_indices = @transform_5, window_bounds = array<i64: 1, 128>}, {pipeline_mode = #tpu.pipeline_mode<synchronous>, transform_indices = @transform_6, window_bounds = array<i64: 128, 128>}, {transform_indices = @transform_7, window_bounds = array<i64: 2048, 128>}]} {
    %get3A = arith.constant 0 : index
    %get3A_0 = arith.constant 0 : index
    %get3A_1 = vector.load %arg1[%get3A, %get3A_0] : memref<2048x128xf32, #tpu.memory_space<vmem>>, vector<2048x128xf32>
    %get3A_2 = arith.constant 0 : index
    %get3A_3 = arith.constant 0 : index
    %get3A_4 = vector.load %arg2[%get3A_2, %get3A_3] : memref<2048x128xf32, #tpu.memory_space<vmem>>, vector<2048x128xf32>
    %add3A = arith.addf %get3A_1, %get3A_4 : vector<2048x128xf32>
    %get3A_5 = arith.constant 0 : index
    %get3A_6 = arith.constant 0 : index
    %get3A_7 = vector.load %arg3[%get3A_5, %get3A_6] : memref<32x2048xf32, #tpu.memory_space<vmem>>, vector<32x2048xf32>
    %reduce_sum3A = arith.constant dense<0.000000e+00> : vector<2048xf32>
    %reduce_sum3A_8 = vector.multi_reduction <add>, %get3A_7, %reduce_sum3A [0] : vector<32x2048xf32> to vector<2048xf32>
    %broadcast_in_dim3A = vector.shape_cast %reduce_sum3A_8 : vector<2048xf32> to vector<2048x1xf32>
    %max3A = arith.constant 1.000000e+00 : f32
    %max3A_9 = vector.broadcast %max3A : f32 to vector<2048x1xf32>
    %max3A_10 = arith.maximumf %broadcast_in_dim3A, %max3A_9 : vector<2048x1xf32>
    %div3A = vector.broadcast %max3A_10 : vector<2048x1xf32> to vector<2048x128xf32>
    %div3A_11 = arith.divf %add3A, %div3A : vector<2048x128xf32>
    %get3A_12 = arith.constant 0 : index
    %get3A_13 = arith.constant 0 : index
    %get3A_14 = vector.load %arg5[%get3A_12, %get3A_13] : memref<128x128xf32, #tpu.memory_space<vmem>>, vector<128x128xf32>
    %dot_general3A = arith.constant dense<0.000000e+00> : vector<2048x128xf32>
    %dot_general3A_15 = tpu.matmul %div3A_11, %get3A_14, %dot_general3A {dimension_numbers = #tpu.dot_dimension_numbers<[1], [0], [0], [1], [0, 0, 1, 1], [], []>, precision = #tpu.contract_precision<fp32>, transpose_lhs_hint = false} : vector<2048x128xf32>, vector<128x128xf32>, vector<2048x128xf32> -> vector<2048x128xf32>
    %get3A_16 = arith.constant 0 : index
    %get3A_17 = arith.constant 0 : index
    %get3A_18 = vector.load %arg6[%get3A_16, %get3A_17] : memref<1x128xf32, #tpu.memory_space<vmem>>, vector<1x128xf32>
    %add3A_19 = vector.broadcast %get3A_18 : vector<1x128xf32> to vector<2048x128xf32>
    %add3A_20 = arith.addf %dot_general3A_15, %add3A_19 : vector<2048x128xf32>
    %get3A_21 = arith.constant 0 : index
    %get3A_22 = arith.constant 0 : index
    %get3A_23 = vector.load %arg4[%get3A_21, %get3A_22] : memref<2048x128xf32, #tpu.memory_space<vmem>>, vector<2048x128xf32>
    %get3A_24 = arith.constant 0 : index
    %get3A_25 = arith.constant 0 : index
    %get3A_26 = vector.load %arg7[%get3A_24, %get3A_25] : memref<128x128xf32, #tpu.memory_space<vmem>>, vector<128x128xf32>
    %dot_general3A_27 = arith.constant dense<0.000000e+00> : vector<2048x128xf32>
    %dot_general3A_28 = tpu.matmul %get3A_23, %get3A_26, %dot_general3A_27 {dimension_numbers = #tpu.dot_dimension_numbers<[1], [0], [0], [1], [0, 0, 1, 1], [], []>, precision = #tpu.contract_precision<fp32>, transpose_lhs_hint = false} : vector<2048x128xf32>, vector<128x128xf32>, vector<2048x128xf32> -> vector<2048x128xf32>
    %add3A_29 = arith.addf %add3A_20, %dot_general3A_28 : vector<2048x128xf32>
    %swap3A = arith.constant 0 : index
    %swap3A_30 = arith.constant 0 : index
    %swap3A_31 = vector.load %arg8[%swap3A, %swap3A_30] : memref<2048x128xf32, #tpu.memory_space<vmem>>, vector<2048x128xf32>
    tpu.vector_store %arg8[%swap3A, %swap3A_30], %add3A_29 {strides = array<i32>} : memref<2048x128xf32, #tpu.memory_space<vmem>>, vector<2048x128xf32>,
    return
  }
  func.func @transform_0(%arg0: i32) -> (i32, i32) {
    %c0_i32 = arith.constant 0 : i32
    %c0_i32_0 = arith.constant 0 : i32
    return %arg0, %c0_i32 : i32, i32
  }
  func.func @transform_1(%arg0: i32) -> (i32, i32) {
    %add3A = arith.constant 5 : i32
    %add3A_0 = arith.addi %arg0, %add3A : i32
    %c0_i32 = arith.constant 0 : i32
    %c0_i32_1 = arith.constant 0 : i32
    return %add3A_0, %c0_i32 : i32, i32
  }
  func.func @transform_2(%arg0: i32) -> (i32, i32) {
    %c0_i32 = arith.constant 0 : i32
    %c0_i32_0 = arith.constant 0 : i32
    return %c0_i32, %arg0 : i32, i32
  }
  func.func @transform_3(%arg0: i32) -> (i32, i32) {
    %c0_i32 = arith.constant 0 : i32
    %c0_i32_0 = arith.constant 0 : i32
    return %arg0, %c0_i32 : i32, i32
  }
  func.func @transform_4(%arg0: i32) -> (i32, i32) {
    %c0_i32 = arith.constant 0 : i32
    %c0_i32_0 = arith.constant 0 : i32
    %c0_i32_1 = arith.constant 0 : i32
    return %c0_i32, %c0_i32_0 : i32, i32
  }
  func.func @transform_5(%arg0: i32) -> (i32, i32) {
    %c0_i32 = arith.constant 0 : i32
    %c0_i32_0 = arith.constant 0 : i32
    %c0_i32_1 = arith.constant 0 : i32
    return %c0_i32, %c0_i32_0 : i32, i32
  }
  func.func @transform_6(%arg0: i32) -> (i32, i32) {
    %c0_i32 = arith.constant 0 : i32
    %c0_i32_0 = arith.constant 0 : i32
    %c0_i32_1 = arith.constant 0 : i32
    return %c0_i32, %c0_i32_0 : i32, i32
  }
  func.func @transform_7(%arg0: i32) -> (i32, i32) {
    %c0_i32 = arith.constant 0 : i32
    %c0_i32_0 = arith.constant 0 : i32
    return %arg0, %c0_i32 : i32, i32
  }
}

</mosaic_0001>

<sc_bundles>
// kernel: kernel.6.cloned.1.call-start
scs
__scs_entry_jumppad:
0x0: {  	(pc) =	sbr.rel $0x88, $3  }
0x1: {  	(tag) =	ssettag $0x0;
	lr =	simm.s32 $0x1  }
0x2: {  	[smem:$0x3F99] =	sst lr;
	_ =	strace $0xD0000000  }
0x3: {  	_ = 	snop  }
0x4: {  	_ = 	snop  }
0x5: {  	_ = 	snop  }
0x6: {  	_ = 	snop  }
0x7: {  	_ = 	snop  }
__scs_overlays_trampoline_lowered:
0x8: {  	[smem:$0x3FA8] =	sst s0  }
0x9: {  	[smem:$0x3FA9] =	sst s1  }
0xa: {  	[smem:$0x3FAA] =	sst s2  }
0xb: {  	[smem:$0x3FAB] =	sst s3  }
0xc: {  	[smem:$0x3FAC] =	sst s4  }
0xd: {  	[smem:$0x3FAD] =	sst s5  }
0xe: {  	[smem:$0x3FAE] =	sst s6  }
0xf: {  	[smem:$0x3FAF] =	sst s7  }
0x10: {  	[smem:$0x3FB0] =	sst s8  }
0x11: {  	[smem:$0x3FB1] =	sst s9;
	s0 =	simm.s32 @!p0 $0x0  }
0x12: {  	s1 =	sld [smem:$0x3F97];
	s0 =	simm.s32 @p0 $0x1  }
0x13: {  	[smem:$0x3FB2] =	sst s0;
	s0 =	simm.s32 @!p1 $0x0  }
0x14: {  	s2 =	sld [smem:$0x3F96];
	s0 =	simm.s32 @p1 $0x1  }
0x15: {  	[smem:$0x3FB3] =	sst s0;
	s0 =	simm.s32 @!p2 $0x0  }
0x16: {  	s3 =	sld [smem:$0x3FDB];
	s0 =	simm.s32 @p2 $0x1  }
0x17: {  	s4 =	simm.s32 $0x1BF5;
	[smem:$0x3FB5] =	sst s0  }
0x18: {  	s0 =	sld [smem:$0x3F98];
	_ =	swait.ge [sflag:s4], $0x0  }
0x19: {  	s7 =	sld [smem:$0x3F99]  }
0x1a: {  	s8 =	sadd.s32 $0xFFFFE003, lr  }
0x1b: {  	s9 =	sadd.s32 $0xFFFFFEF7, lr;
	s5 =	simm.s32 $0xFFFFFFFF;
	p2 =	slt.u32 s8, $0xFFFFF086  }
0x1c: {  	p1 =	slt.u32 s9, $0xF7A;
	s5 =	simm.s32 @!p2 $0x0  }
0x1d: {  	s5 =	simm.s32 @p1 $0x1;
	p0 =	seq.s32 s7, s2  }
0x1e: {  	s7 =	smul.u32 @!p0 $0xF7A, s2;
	p2 =	seq.s32 @!p0 s5, $0x0  }
0x1f: {  	s9 =	smul.u32 $0xF7A, s1;
	s8 =	simm.s32 @!p0 $0x1BF5;
	p2 =	por !p2, p0  }
0x20: {  	[sflag:s8] =	ssyncset.s32 @!p0 $0xFFFFF086;
	s6 =	sadd.s32 @!p0 s3, s7;
	s7 =	simm.s32 @!p0 $0x108  }
0x21: {  	s3 =	sadd.s32 s3, s9;
	s6 =	sadd.s32 @!p0 $0x88, s6;
	s7 =	simm.s32 @p2 $0x1082  }
0x22: {  	[simem:s7], [sflag:s8] =	dma.local @!p0 [hbm:s6], $0xF7A  }
0x23: {  	s9 =	sor.u32 $0xD0000000, s2;
	s6 =	simm.s32 $0x108;
	_ =	swait.ge @!p0 [sflag:s8], $0x0  }
0x24: {  	s3 =	sadd.s32 $0x88, s3;
	s6 =	simm.s32 @!p1 $0x1082;
	[sflag:s4] =	ssyncset.s32 $0xFFFFF086  }
0x25: {  	[simem:s6], [sflag:s4] =	dma.local [hbm:s3], $0xF7A  }
0x26: {  	[smem:$0x3F99] =	sst s1;
	(tag) =	ssettag s2;
	_ =	strace s9  }
0x27: {  	s1 =	sld [smem:$0x3FA9]  }
0x28: {  	s2 =	sld [smem:$0x3FAA]  }
0x29: {  	s4 =	sld [smem:$0x3FAC]  }
0x2a: {  	p0 =	seq.s32 s5, $0x0;
	s5 =	sld [smem:$0x3FAD]  }
0x2b: {  	s6 =	sld [smem:$0x3FAE]  }
0x2c: {  	s7 =	sld [smem:$0x3FAF]  }
0x2d: {  	s3 =	simm.s32 $0x108;
	s8 =	sld [smem:$0x3FB0]  }
0x2e: {  	s3 =	simm.s32 @!p0 $0x1082;
	s9 =	sld [smem:$0x3FB1]  }
0x2f: {  	lr =	sadd.s32 s0, s3;
	s0 =	sld [smem:$0x3FA8]  }
0x30: {  	s3 =	sld [smem:$0x3FAB]  }
0x31: {  	[smem:$0x3FB4] =	sst s10  }
0x32: {  	s10 =	sld [smem:$0x3FB2];
	_ =	sdelay $0x3  }
0x33: {  	p0 =	seq.s32 s10, $0x1;
	s10 =	sld [smem:$0x3FB4];
	_ =	sdelay $0x3  }
0x34: {  	[smem:$0x3FB4] =	sst s10  }
0x35: {  	s10 =	sld [smem:$0x3FB3];
	_ =	sdelay $0x3  }
0x36: {  	p1 =	seq.s32 s10, $0x1;
	s10 =	sld [smem:$0x3FB4];
	_ =	sdelay $0x3  }
0x37: {  	[smem:$0x3FB4] =	sst s10  }
0x38: {  	s10 =	sld [smem:$0x3FB5]  }
0x39: {  	_ = 	snop;
	(pc) =	sbr.ind lr, $3  }
0x3a: {  	_ = 	snop  }
0x3b: {  	_ = 	snop  }
0x3c: {  	p2 =	seq.s32 s10, $0x1;
	s10 =	sld [smem:$0x3FB4]  }
0x3d: {  	_ =	shalt  }
0x3e: {  	_ =	shalt  }
0x3f: {  	_ =	shalt  }
0x40: {  	_ =	shalt  }
0x41: {  	_ =	shalt  }
0x42: {  	_ =	shalt  }
0x43: {  	_ =	shalt  }
0x44: {  	_ =	shalt  }
0x45: {  	_ =	shalt  }
0x46: {  	_ =	shalt  }
0x47: {  	_ =	shalt  }
0x48: {  	_ =	shalt  }
0x49: {  	_ =	shalt  }
0x4a: {  	_ =	shalt  }
0x4b: {  	_ =	shalt  }
0x4c: {  	_ =	shalt  }
0x4d: {  	_ =	shalt  }
0x4e: {  	_ =	shalt  }
0x4f: {  	_ =	shalt  }
0x50: {  	_ =	shalt  }
0x51: {  	_ =	shalt  }
0x52: {  	_ =	shalt  }
0x53: {  	_ =	shalt  }
0x54: {  	_ =	shalt  }
0x55: {  	_ =	shalt  }
0x56: {  	_ =	shalt  }
0x57: {  	_ =	shalt  }
0x58: {  	_ =	shalt  }
0x59: {  	_ =	shalt  }
0x5a: {  	_ =	shalt  }
0x5b: {  	_ =	shalt  }
0x5c: {  	_ =	shalt  }
0x5d: {  	_ =	shalt  }
0x5e: {  	_ =	shalt  }
0x5f: {  	_ =	shalt  }
0x60: {  	_ =	shalt  }
0x61: {  	_ =	shalt  }
0x62: {  	_ =	shalt  }
0x63: {  	_ =	shalt  }
0x64: {  	_ =	shalt  }
0x65: {  	_ =	shalt  }
0x66: {  	_ =	shalt  }
0x67: {  	_ =	shalt  }
0x68: {  	_ =	shalt  }
0x69: {  	_ =	shalt  }
0x6a: {  	_ =	shalt  }
0x6b: {  	_ =	shalt  }
0x6c: {  	_ =	shalt  }
0x6d: {  	_ =	shalt  }
0x6e: {  	_ =	shalt  }
0x6f: {  	_ =	shalt  }
0x70: {  	_ =	shalt  }
0x71: {  	_ =	shalt  }
0x72: {  	_ =	shalt  }
0x73: {  	_ =	shalt  }
0x74: {  	_ =	shalt  }
0x75: {  	_ =	shalt  }
0x76: {  	_ =	shalt  }
0x77: {  	_ =	shalt  }
0x78: {  	_ =	shalt  }
0x79: {  	_ =	shalt  }
0x7a: {  	_ =	shalt  }
0x7b: {  	_ =	shalt  }
0x7c: {  	_ =	shalt  }
0x7d: {  	_ =	shalt  }
0x7e: {  	_ =	shalt  }
0x7f: {  	_ =	shalt  }
0x80: {  	_ =	shalt  }
0x81: {  	_ =	shalt  }
0x82: {  	_ =	shalt  }
0x83: {  	_ =	shalt  }
0x84: {  	_ =	shalt  }
0x85: {  	_ =	shalt  }
0x86: {  	_ =	shalt  }
0x87: {  	_ =	shalt  }
.Lfunc_end0:
.L_simem_size_0:
called_computation_lowered:
.L_overlay_start_0:
0x88: {  	s2 =	sld [smem:$0x3FD9]  }
0x89: {  	s3 =	sld [smem:$0x3FFE];
	_ =	sdelay $0x1  }
0x8a: {  	s1 =	srdreg.scid  }
0x8b: {  	s0 =	sand.u32 $0x1, s1  }
0x8c: {  	s17 =	sshll.u32 s0, $0xA;
	s2 =	sadd.s32 s3, s2  }
0x8d: {  	s2 =	sadd.s32 s2, s17  }
0x8e: {  	[smem:$0x3FC0] =	sst s2  }
0x8f: {  	_ = 	snop  }
0x90: {  	s2 =	sld [smem:$0x3FD0];
	(tm) =	ssettm $0x1  }
0x91: {  	s18 =	sld [smem:$0x3FFB];
	_ =	sdelay $0x3  }
0x92: {  	_ =	strace s18  }
0x93: {  	s3 =	sld [smem:$0x3FFC];
	_ =	sdelay $0x3  }
0x94: {  	_ =	strace s3  }
0x95: {  	s3 =	sld [smem:$0x3FFD];
	_ =	sdelay $0x3  }
0x96: {  	_ =	strace s3  }
0x97: {  	_ =	strace $0x8FFFFFFF  }
0x98: {  	s19 =	sld [smem:$0x3FDB];
	_ =	sdelay $0x1  }
0x99: {  	s4 =	simm.s32 $_scs_section_size  }
0x9a: {  	s5 =	simm.s32 $_size__tile_overlayer_lowered;
	s6 =	simm.s32 $_tile_overlayer_lowered  }
0x9b: {  	s22 =	simm.s32 $0x1BFF;
	s21 =	sshll.u32 s6, $0x1;
	s3 =	sadd.s32 s4, s19  }
0x9c: {  	s7 =	simm.s32 $0x0;
	s20 =	sshll.u32 s5, $0x1;
	s5 =	sadd.s32 s21, s3  }
0x9d: {  	[timem:s7], [sflag:s22] =	dma.local [hbm:s5], s20  }
0x9e: {  	_ =	swait.ge [sflag:s22], s20  }
0x9f: {  	s4 =	ssub.s32 $0x0, s20;
	[sflag:s22] =	ssyncset.done $0x0  }
0xa0: {  	[sflag:s22] =	ssyncadd.s32 s4;
	_ =	sdelay $0x1  }
0xa1: {  	s23 =	simm.s32 $0x1B8B  }
0xa2: {  	_ =	swait.ge [sflag:s23], $0x1  }
0xa3: {  	[sflag:s23] =	ssyncset.done $0x0  }
0xa4: {  	s25 =	simm.s32 $0x1B8E;
	s24 =	sld [smem:$0x3FFE];
	[sflag:s23] =	ssyncadd.s32 $0xFFFFFFFF  }
0xa5: {  	s26 =	simm.s32 $execute0_lowered;
	[smem:$0x3FD2] =	sst s25  }
0xa6: {  	s5 =	sshll.u32 s26, $0x1;
	_ =	strace $0x80000046;
	[dreg:$0x1] =	wrdreg $0xFFFFFFFF  }
0xa7: {  	s28 =	simm.s32 $_size_execute0_lowered;
	s3 =	sadd.s32 s3, s5;
	[dreg:$0x0] =	wrdreg $0x0  }
0xa8: {  	s5 =	sshll.u32 s28, $0x1;
	[dreg:$0x2] =	wrdreg s3  }
0xa9: {  	[dreg:$0x3] =	wrdreg s5  }
0xaa: {  	[dreg:$0x4] =	wrdreg $0xC0  }
0xab: {  	_ =	task [dreg:s7], $0x5FFFF  }
0xac: {  	[dreg:$0x1] =	wrdreg $0xFFFFFFFF  }
0xad: {  	[dreg:$0x0] =	wrdreg $0x60  }
0xae: {  	[dreg:$0x2] =	wrdreg s24  }
0xaf: {  	[dreg:$0x3] =	wrdreg s2  }
0xb0: {  	[dreg:$0x4] =	wrdreg $0x0  }
0xb1: {  	[dreg:$0x5] =	wrdreg $0x9  }
0xb2: {  	_ =	task.clear_ibuf [dreg:s7], $0x6FFFF;
	_ =	strace $0x90000046  }
0xb3: {  	s29 =	simm.s32 $0x9;
	_ =	strace $0x80000048  }
0xb4: {  	_ =	swait.ge [sflag:s29], $0x1  }
0xb5: {  	[sflag:s29] =	ssyncadd.s32 $0xFFFFFFFF  }
0xb6: {  	_ =	strace $0x90000048  }
0xb7: {  	_ =	sfence  }
0xb8: {  	s30 =	sld [smem:$0x0];
	_ =	sdelay $0x2  }
0xb9: {  	s31 =	sshll.u32 s1, $0xD;
	s1 =	sshrl.u32 s1, $0x2  }
0xba: {  	s3 =	sand.u32 $0x4000, s31;
	s1 =	sadd.s32 s1, s30  }
0xbb: {  	s0 =	sor.u32 s3, s0;
	s1 =	sshll.u32 s1, $0x11  }
0xbc: {  	s0 =	sor.u32 s1, s0  }
0xbd: {  	s0 =	sadd.s32 $0x8F2B, s0  }
0xbe: {  	[sflag:s0] =	ssyncadd.remote.s32 $0x1  }
0xbf: {  	_ =	sfence.sel $0xFFFF  }
0xc0: {  	[dreg:$0x0] =	wrdreg $0xFFFFFFFF;
	(pc) =	sbr.abs _section_cstart, $3  }
0xc1: {  	[dreg:$0x1] =	wrdreg $0xFFFFFFFF  }
0xc2: {  	_ =	task.clear_ibuf [dreg:s7], $0x2FFFF;
	_ =	strace $0x9FFFFFFF  }
0xc3: {  	(tm) =	ssettm $0x7FFFFFFF  }
tec
execute0_lowered:
.L_overlay_start_1:
0x0: {  	(tag) =	ssettag $0x1  }
0x1: {  	s1 =	rddreg [dreg:$0x0]  }
0x2: {  	s17 =	rddreg [dreg:$0x1];
	s3 =	srdreg.scid  }
0x3: {  	s0 =	stileid.u32;
	s2 =	rddreg [dreg:$0x2];
	s23 =	simm.s32 $0x14000  }
0x4: {  	s24 =	simm.s32 $0x14080;
	s28 =	simm.s32 $0x18100;
	s30 =	simm.s32 $0x0  }
0x5: {  	s18 =	sand.u32 $0x1, s3;
	s5 =	smul.u32 $0x280, s0;
	s3 =	simm.s32 $0x0  }
0x6: {  	s4 =	sadd.s32 $0x16200, s1;
	s8 =	smul.u32 $0x50000, s0;
	s21 =	sshll.u32 s0, $0x7  }
0x7: {  	s6 =	smul.u32 $0x2800, s18;
	[smem:$0x7FF] =	sst s3;
	s25 =	ssub.s32 $0x2, s18  }
0x8: {  	s10 =	sshll.u32 s18, $0x4;
	s16 =	sand.u32 $0x380, s21;
	s31 =	sshll.u32 s18, $0xB  }
0x9: {  	_ =	strace $0x80000047;
	s9 =	sshrl.u32 s25, $0x1;
	s8 =	sshrl.u32 s8, $0x2  }
0xa: {  	s20 =	sor.u32 s0, s10;
	s6 =	sadd.s32 s5, s6;
	s5 =	sadd.s32 $0xC400, s1  }
0xb: {  	s19 =	ssub.s32 s25, s9;
	s11 =	sshrl.u32 s20, $0x3;
	s29 =	ssub.s32 $0x9E3, s20  }
0xc: {  	s20 =	sor.u32 s21, s31;
	s21 =	simm.s32 $0x14100;
	s25 =	simm.s32 $0x80  }
0xd: {  	s7 =	sshll.u32 s6, $0x4;
	s6 =	sadd.s32 $0x2600, s1;
	s15 =	smul.u32 $0x14000, s11  }
0xe: {  	s18 =	smax.u32 s19, $0x1;
	s1 =	sadd.s32 s7, s1;
	s7 =	sadd.s32 s8, s2  }
0xf: {  	s8 =	sadd.s32 $0x4000, s7;
	s9 =	sadd.s32 $0x8000, s7;
	s10 =	sadd.s32 $0xC000, s7  }
0x10: {  	s11 =	sadd.s32 $0x10000, s7;
	s12 =	sadd.s32 $0x3E200, s1;
	s13 =	sadd.s32 $0x3EA00, s1  }
0x11: {  	s14 =	sadd.s32 $0x3F200, s1;
	s22 =	sor.u32 s16, s15;
	s15 =	sadd.s32 $0x3FA00, s1  }
0x12: {  	s16 =	sadd.s32 $0x40200, s1;
	s1 =	sshrl.u32 s29, $0x5;
	s26 =	sshrl.u32 s22, $0x3  }
0x13: {  	v0 =	vimm.f32 $0.0e+00;
	v1 =	vimm.f32 $1.000000000e+00;
	s22 =	simm.s32 $0x2;
	s17 =	sadd.s32 s17, s26;
	s26 =	simm.s32 $0x1  }
.LBB2_1:
0x14: {  	s19 =	simm.s32 $0x0;
	s31 =	simm.s32 $0x200  }
.LBB2_2:
0x15: {  	p0 =	sne.s32 s31, $0xFE00;
	[tilespmem:s19+$0x14170] =	vst v0  }
0x16: {  	[tilespmem:s19+$0x14100] =	vst v0  }
0x17: {  	[tilespmem:s19+$0x14110] =	vst v0  }
.Ltmp0:
0x18: {  	[tilespmem:s19+$0x14120] =	vst v0;
	(pc) =	sbr.rel @p0 .LBB2_2-.Ltmp0, $4  }
0x19: {  	[tilespmem:s19+$0x14130] =	vst v0  }
0x1a: {  	[tilespmem:s19+$0x14140] =	vst v0  }
0x1b: {  	[tilespmem:s19+$0x14150] =	vst v0  }
0x1c: {  	[tilespmem:s19+$0x14160] =	vst v0;
	s19 =	sshra.s32 s31, $0x2;
	s31 =	sadd.s32 $0x200, s31  }
0x1d: {  	[tilespmem:s19+$0x14170] =	vst v0  }
0x1e: {  	[tilespmem:s19+$0x14100] =	vst v0  }
0x1f: {  	[tilespmem:s19+$0x14110] =	vst v0  }
0x20: {  	[tilespmem:s19+$0x14120] =	vst v0  }
0x21: {  	[tilespmem:s19+$0x14130] =	vst v0  }
0x22: {  	[tilespmem:s19+$0x14140] =	vst v0  }
0x23: {  	[tilespmem:s19+$0x14150] =	vst v0  }
0x24: {  	[tilespmem:s19+$0x14160] =	vst v0;
	s19 =	simm.s32 $0x40;
	s31 =	simm.s32 $0x0  }
.LBB2_4:
0x25: {  	p0 =	sne.s32 s19, $0x9FC0;
	[tilespmem:s31+$0x18100] =	vst v0;
	s31 =	smov.u32 s19;
	s19 =	sadd.s32 $0x40, s19  }
.Ltmp1:
0x26: {  	(pc) =	sbr.rel @p0 .LBB2_4-.Ltmp1, $2  }
0x27: {  	_ =	sdelay $0x2  }
0x28: {  	s31 =	sshra.s32 s31, $0x2  }
0x29: {  	[tilespmem:s31+$0x18100] =	vst v0  }
0x2a: {  	[spmem:s7] =	stream.linear.scatter [tilespmem:s21], [sflag:$0x2], $0x4000, $0x38;
	[tilespmem:$0x1A900] =	vst v63  }
0x2b: {  	_ =	swait.ge [sflag:s22], $0x4000  }
0x2c: {  	[sflag:s22] =	ssyncset.done $0x0  }
0x2d: {  	[sflag:s22] =	ssyncadd.s32 $0xFFFFC000  }
0x2e: {  	[spmem:s8] =	stream.linear.scatter [tilespmem:s21], [sflag:$0x2], $0x4000, $0x38;
	[tilespmem:$0x1A900] =	vst v63  }
0x2f: {  	_ =	swait.ge [sflag:s22], $0x4000  }
0x30: {  	[sflag:s22] =	ssyncset.done $0x0  }
0x31: {  	[sflag:s22] =	ssyncadd.s32 $0xFFFFC000  }
0x32: {  	[spmem:s9] =	stream.linear.scatter [tilespmem:s21], [sflag:$0x2], $0x4000, $0x38;
	[tilespmem:$0x1A900] =	vst v63  }
0x33: {  	_ =	swait.ge [sflag:s22], $0x4000  }
0x34: {  	[sflag:s22] =	ssyncset.done $0x0  }
0x35: {  	[sflag:s22] =	ssyncadd.s32 $0xFFFFC000  }
0x36: {  	[spmem:s10] =	stream.linear.scatter [tilespmem:s21], [sflag:$0x2], $0x4000, $0x38;
	[tilespmem:$0x1A900] =	vst v63  }
0x37: {  	_ =	swait.ge [sflag:s22], $0x4000  }
0x38: {  	[sflag:s22] =	ssyncset.done $0x0  }
0x39: {  	[sflag:s22] =	ssyncadd.s32 $0xFFFFC000  }
0x3a: {  	[spmem:s11] =	stream.linear.scatter [tilespmem:s21], [sflag:$0x2], $0x4000, $0x38;
	[tilespmem:$0x1A900] =	vst v63  }
0x3b: {  	_ =	swait.ge [sflag:s22], $0x4000  }
0x3c: {  	[sflag:s22] =	ssyncset.done $0x0  }
0x3d: {  	[sflag:s22] =	ssyncadd.s32 $0xFFFFC000  }
0x3e: {  	s31 =	smov.u32 s20;
	s19 =	smov.u32 s1;
	[bflag:$0x0] =	sbarrier.arrive $0xFFFF  }
.LBB2_6:
0x3f: {  	s0 =	sshrl.u32 s31, $0x3  }
0x40: {  	s29 =	sadd.s32 s5, s0  }
0x41: {  	[tilespmem:s23], [sflag:$0x2] =	stream.linear.gather [hbm4b:s29+s3], $0x80, $0x38;
	[tilespmem:$0x1A900] =	vst v63  }
0x42: {  	_ =	swait.ge [sflag:s22], $0x80  }
0x43: {  	[sflag:s22] =	ssyncset.done $0x0  }
0x44: {  	s0 =	sadd.s32 s6, s0;
	[sflag:s22] =	ssyncadd.s32 $0xFFFFFF80  }
0x45: {  	[tilespmem:s24], [sflag:$0x2] =	stream.linear.gather [hbm4b:s0+s3], $0x80, $0x38;
	[tilespmem:$0x1A900] =	vst v63  }
0x46: {  	_ =	swait.ge [sflag:s22], $0x80  }
0x47: {  	[sflag:s22] =	ssyncset.done $0x0  }
0x48: {  	[sflag:s22] =	ssyncadd.s32 $0xFFFFFF80  }
0x49: {  	[tilespmem:s21], [sflag:$0x1] =	stream.indirect.gather [hbm4b:s4+s25], $0x80, s23, s25, $0xb8;
	[tilespmem:$0x1A900] =	vst v63  }
0x4a: {  	_ =	swait.ge [sflag:s26], $0x4000  }
0x4b: {  	[sflag:s26] =	ssyncset.done $0x0  }
0x4c: {  	[sflag:s26] =	ssyncadd.s32 $0xFFFFC000  }
0x4d: {  	[spmem:s2] =	stream.indirect.scatter.add.f32 [tilespmem:s21], [sflag:$0x2], $0x80, s24, s25, $0xb8;
	[tilespmem:$0x1A900] =	vst v63  }
0x4e: {  	_ =	swait.ge [sflag:s22], $0x4000  }
0x4f: {  	[sflag:s22] =	ssyncset.done $0x0  }
0x50: {  	[sflag:s22] =	ssyncadd.s32 $0xFFFFC000  }
0x51: {  	v2 =	vld [tilespmem:$0x14080];
	_ =	sdelay $0x7  }
0x52: {  	[tilespmem:v2+s28+$0x0] =	vst.idx.add.f32.msk $0xffff, v1  }
0x53: {  	v2 =	vld [tilespmem:$0x14090];
	_ =	sdelay $0x7  }
0x54: {  	[tilespmem:v2+s28+$0x0] =	vst.idx.add.f32.msk $0xffff, v1  }
0x55: {  	v2 =	vld [tilespmem:$0x140A0];
	_ =	sdelay $0x7  }
0x56: {  	[tilespmem:v2+s28+$0x0] =	vst.idx.add.f32.msk $0xffff, v1  }
0x57: {  	v2 =	vld [tilespmem:$0x140B0];
	_ =	sdelay $0x7  }
0x58: {  	[tilespmem:v2+s28+$0x0] =	vst.idx.add.f32.msk $0xffff, v1  }
0x59: {  	v2 =	vld [tilespmem:$0x140C0];
	_ =	sdelay $0x7  }
0x5a: {  	[tilespmem:v2+s28+$0x0] =	vst.idx.add.f32.msk $0xffff, v1  }
0x5b: {  	v2 =	vld [tilespmem:$0x140D0];
	_ =	sdelay $0x7  }
0x5c: {  	[tilespmem:v2+s28+$0x0] =	vst.idx.add.f32.msk $0xffff, v1  }
0x5d: {  	v2 =	vld [tilespmem:$0x140E0];
	_ =	sdelay $0x7  }
0x5e: {  	[tilespmem:v2+s28+$0x0] =	vst.idx.add.f32.msk $0xffff, v1  }
0x5f: {  	v2 =	vld [tilespmem:$0x140F0];
	_ =	sdelay $0x2  }
0x60: {  	p0 =	sne.s32 s19, $0x1  }
.Ltmp2:
0x61: {  	_ = 	snop;
	(pc) =	sbr.rel @p0 .LBB2_6-.Ltmp2, $2  }
0x62: {  	_ =	sdelay $0x2  }
0x63: {  	s31 =	sadd.s32 $0x1000, s31;
	s19 =	sadd.s32 $0xFFFFFFFF, s19;
	[tilespmem:v2+s28+$0x0] =	vst.idx.add.f32.msk $0xffff, v1  }
0x64: {  	s0 =	stileid.u32  }
0x65: {  	s0 =	sshll.u32 s0, $0x6  }
0x66: {  	[bflag:$0x0] =	sbarrier.arrive $0xFFFF;
	s19 =	sshrl.u32 s7, $0x3;
	s0 =	sor.u32 $0x1C02, s0  }
0x67: {  	[hbm:s12], [sflag:s0] =	dma.local [spmem:s19], $0x800  }
0x68: {  	_ =	swait.ge [sflag:s22], $0x800  }
0x69: {  	[sflag:s22] =	ssyncset.done $0x0  }
0x6a: {  	s31 =	sshrl.u32 s8, $0x3;
	[sflag:s22] =	ssyncadd.s32 $0xFFFFF800  }
0x6b: {  	[hbm:s13], [sflag:s0] =	dma.local [spmem:s31], $0x800  }
0x6c: {  	_ =	swait.ge [sflag:s22], $0x800  }
0x6d: {  	[sflag:s22] =	ssyncset.done $0x0  }
0x6e: {  	s29 =	sshrl.u32 s9, $0x3;
	[sflag:s22] =	ssyncadd.s32 $0xFFFFF800  }
0x6f: {  	[hbm:s14], [sflag:s0] =	dma.local [spmem:s29], $0x800  }
0x70: {  	_ =	swait.ge [sflag:s22], $0x800  }
0x71: {  	[sflag:s22] =	ssyncset.done $0x0  }
0x72: {  	s31 =	sshrl.u32 s10, $0x3;
	[sflag:s22] =	ssyncadd.s32 $0xFFFFF800  }
0x73: {  	[hbm:s15], [sflag:s0] =	dma.local [spmem:s31], $0x800  }
0x74: {  	_ =	swait.ge [sflag:s22], $0x800  }
0x75: {  	[sflag:s22] =	ssyncset.done $0x0  }
0x76: {  	s29 =	sshrl.u32 s11, $0x3;
	[sflag:s22] =	ssyncadd.s32 $0xFFFFF800  }
0x77: {  	[hbm:s16], [sflag:s0] =	dma.local [spmem:s29], $0x800  }
0x78: {  	s30 =	sadd.s32 $0x1, s30;
	_ =	swait.ge [sflag:s22], $0x800  }
0x79: {  	p0 =	sne.s32 s30, s18;
	[sflag:s22] =	ssyncset.done $0x0  }
.Ltmp3:
0x7a: {  	s31 =	simm.s32 $0x400;
	[sflag:s22] =	ssyncadd.s32 $0xFFFFF800;
	(pc) =	sbr.rel @p0 .LBB2_1-.Ltmp3, $4  }
0x7b: {  	[hbm4b:s17+s25] =	stream.strided.scatter [tilespmem:s28], [sflag:$0x2], $0x2800, s31, s25, $0x38;
	[tilespmem:$0x1A900] =	vst v63  }
0x7c: {  	_ =	swait.ge [sflag:s22], $0x2800  }
0x7d: {  	[sflag:s22] =	ssyncset.done $0x0  }
0x7e: {  	[sflag:s22] =	ssyncadd.s32 $0xFFFFD800  }
0x7f: {  	_ =	sfence.sel $0x180000  }
0x80: {  	[bflag:$0x0] =	sbarrier.arrive $0xFFFF  }
0x81: {  	_ =	strace $0x90000047  }
0x82: {  	s0 =	stileid.u32;
	[bflag:$0x2] =	sbarrier.arrive $0xFFFF  }
0x83: {  	p0 =	sne.s32 s0, $0x0;
	s0 =	rddreg [dreg:$0x3]  }
0x84: {  	s0 =	sadd.s32 @!p0 $0x100000, s0  }
0x85: {  	[sflag:s0] =	ssyncadd.tile.s32 @!p0 $0x1;
	_ =	shalt  }
.Lfunc_end2:
_tile_overlayer_lowered:
.L_overlay_start_2:
0x86: {  	(tag) =	ssettag $0x2  }
0x87: {  	s0 =	rddreg [dreg:$0x0];
	s2 =	stileid.u32  }
0x88: {  	s1 =	rddreg [dreg:$0x1];
	p0 =	sne.s32 s2, $0x0  }
0x89: {  	s3 =	rddreg [dreg:$0x2];
	[bflag:$0x3] =	sbarrier.arrive $0xFFFF;
	s2 =	simm.s32 @!p0 $0x1C02  }
0x8a: {  	[timem:s3], [sflag:s2] =	dma.local @!p0 [hbm:s0], s1  }
0x8b: {  	s0 =	simm.s32 @!p0 $0x2  }
0x8c: {  	_ =	swait.ge @!p0 [sflag:s0], s1  }
0x8d: {  	s1 =	ssub.s32 @!p0 $0x0, s1;
	[sflag:s0] =	ssyncset.done @!p0 $0x0  }
0x8e: {  	[sflag:s0] =	ssyncadd.s32 @!p0 s1  }
0x8f: {  	[bflag:$0x3] =	sbarrier.arrive $0xFFFF  }
0x90: {  	_ =	shalt  }

// kernel: kernel.9.cloned.1.call-start
scs
__scs_entry_jumppad:
0x0: {  	(pc) =	sbr.rel $0x88, $3  }
0x1: {  	(tag) =	ssettag $0x0;
	lr =	simm.s32 $0x1  }
0x2: {  	[smem:$0x3F99] =	sst lr;
	_ =	strace $0xD0000000  }
0x3: {  	_ = 	snop  }
0x4: {  	_ = 	snop  }
0x5: {  	_ = 	snop  }
0x6: {  	_ = 	snop  }
0x7: {  	_ = 	snop  }
__scs_overlays_trampoline_lowered:
0x8: {  	[smem:$0x3FA8] =	sst s0  }
0x9: {  	[smem:$0x3FA9] =	sst s1  }
0xa: {  	[smem:$0x3FAA] =	sst s2  }
0xb: {  	[smem:$0x3FAB] =	sst s3  }
0xc: {  	[smem:$0x3FAC] =	sst s4  }
0xd: {  	[smem:$0x3FAD] =	sst s5  }
0xe: {  	[smem:$0x3FAE] =	sst s6  }
0xf: {  	[smem:$0x3FAF] =	sst s7  }
0x10: {  	[smem:$0x3FB0] =	sst s8  }
0x11: {  	[smem:$0x3FB1] =	sst s9;
	s0 =	simm.s32 @!p0 $0x0  }
0x12: {  	s1 =	sld [smem:$0x3F97];
	s0 =	simm.s32 @p0 $0x1  }
0x13: {  	[smem:$0x3FB2] =	sst s0;
	s0 =	simm.s32 @!p1 $0x0  }
0x14: {  	s2 =	sld [smem:$0x3F96];
	s0 =	simm.s32 @p1 $0x1  }
0x15: {  	[smem:$0x3FB3] =	sst s0;
	s0 =	simm.s32 @!p2 $0x0  }
0x16: {  	s3 =	sld [smem:$0x3FDB];
	s0 =	simm.s32 @p2 $0x1  }
0x17: {  	s4 =	simm.s32 $0x1BF5;
	[smem:$0x3FB5] =	sst s0  }
0x18: {  	s0 =	sld [smem:$0x3F98];
	_ =	swait.ge [sflag:s4], $0x0  }
0x19: {  	s7 =	sld [smem:$0x3F99]  }
0x1a: {  	s8 =	sadd.s32 $0xFFFFE003, lr  }
0x1b: {  	s9 =	sadd.s32 $0xFFFFFEF7, lr;
	s5 =	simm.s32 $0xFFFFFFFF;
	p2 =	slt.u32 s8, $0xFFFFF086  }
0x1c: {  	p1 =	slt.u32 s9, $0xF7A;
	s5 =	simm.s32 @!p2 $0x0  }
0x1d: {  	s5 =	simm.s32 @p1 $0x1;
	p0 =	seq.s32 s7, s2  }
0x1e: {  	s7 =	smul.u32 @!p0 $0xF7A, s2;
	p2 =	seq.s32 @!p0 s5, $0x0  }
0x1f: {  	s9 =	smul.u32 $0xF7A, s1;
	s8 =	simm.s32 @!p0 $0x1BF5;
	p2 =	por !p2, p0  }
0x20: {  	[sflag:s8] =	ssyncset.s32 @!p0 $0xFFFFF086;
	s6 =	sadd.s32 @!p0 s3, s7;
	s7 =	simm.s32 @!p0 $0x108  }
0x21: {  	s3 =	sadd.s32 s3, s9;
	s6 =	sadd.s32 @!p0 $0x88, s6;
	s7 =	simm.s32 @p2 $0x1082  }
0x22: {  	[simem:s7], [sflag:s8] =	dma.local @!p0 [hbm:s6], $0xF7A  }
0x23: {  	s9 =	sor.u32 $0xD0000000, s2;
	s6 =	simm.s32 $0x108;
	_ =	swait.ge @!p0 [sflag:s8], $0x0  }
0x24: {  	s3 =	sadd.s32 $0x88, s3;
	s6 =	simm.s32 @!p1 $0x1082;
	[sflag:s4] =	ssyncset.s32 $0xFFFFF086  }
0x25: {  	[simem:s6], [sflag:s4] =	dma.local [hbm:s3], $0xF7A  }
0x26: {  	[smem:$0x3F99] =	sst s1;
	(tag) =	ssettag s2;
	_ =	strace s9  }
0x27: {  	s1 =	sld [smem:$0x3FA9]  }
0x28: {  	s2 =	sld [smem:$0x3FAA]  }
0x29: {  	s4 =	sld [smem:$0x3FAC]  }
0x2a: {  	p0 =	seq.s32 s5, $0x0;
	s5 =	sld [smem:$0x3FAD]  }
0x2b: {  	s6 =	sld [smem:$0x3FAE]  }
0x2c: {  	s7 =	sld [smem:$0x3FAF]  }
0x2d: {  	s3 =	simm.s32 $0x108;
	s8 =	sld [smem:$0x3FB0]  }
0x2e: {  	s3 =	simm.s32 @!p0 $0x1082;
	s9 =	sld [smem:$0x3FB1]  }
0x2f: {  	lr =	sadd.s32 s0, s3;
	s0 =	sld [smem:$0x3FA8]  }
0x30: {  	s3 =	sld [smem:$0x3FAB]  }
0x31: {  	[smem:$0x3FB4] =	sst s10  }
0x32: {  	s10 =	sld [smem:$0x3FB2];
	_ =	sdelay $0x3  }
0x33: {  	p0 =	seq.s32 s10, $0x1;
	s10 =	sld [smem:$0x3FB4];
	_ =	sdelay $0x3  }
0x34: {  	[smem:$0x3FB4] =	sst s10  }
0x35: {  	s10 =	sld [smem:$0x3FB3];
	_ =	sdelay $0x3  }
0x36: {  	p1 =	seq.s32 s10, $0x1;
	s10 =	sld [smem:$0x3FB4];
	_ =	sdelay $0x3  }
0x37: {  	[smem:$0x3FB4] =	sst s10  }
0x38: {  	s10 =	sld [smem:$0x3FB5]  }
0x39: {  	_ = 	snop;
	(pc) =	sbr.ind lr, $3  }
0x3a: {  	_ = 	snop  }
0x3b: {  	_ = 	snop  }
0x3c: {  	p2 =	seq.s32 s10, $0x1;
	s10 =	sld [smem:$0x3FB4]  }
0x3d: {  	_ =	shalt  }
0x3e: {  	_ =	shalt  }
0x3f: {  	_ =	shalt  }
0x40: {  	_ =	shalt  }
0x41: {  	_ =	shalt  }
0x42: {  	_ =	shalt  }
0x43: {  	_ =	shalt  }
0x44: {  	_ =	shalt  }
0x45: {  	_ =	shalt  }
0x46: {  	_ =	shalt  }
0x47: {  	_ =	shalt  }
0x48: {  	_ =	shalt  }
0x49: {  	_ =	shalt  }
0x4a: {  	_ =	shalt  }
0x4b: {  	_ =	shalt  }
0x4c: {  	_ =	shalt  }
0x4d: {  	_ =	shalt  }
0x4e: {  	_ =	shalt  }
0x4f: {  	_ =	shalt  }
0x50: {  	_ =	shalt  }
0x51: {  	_ =	shalt  }
0x52: {  	_ =	shalt  }
0x53: {  	_ =	shalt  }
0x54: {  	_ =	shalt  }
0x55: {  	_ =	shalt  }
0x56: {  	_ =	shalt  }
0x57: {  	_ =	shalt  }
0x58: {  	_ =	shalt  }
0x59: {  	_ =	shalt  }
0x5a: {  	_ =	shalt  }
0x5b: {  	_ =	shalt  }
0x5c: {  	_ =	shalt  }
0x5d: {  	_ =	shalt  }
0x5e: {  	_ =	shalt  }
0x5f: {  	_ =	shalt  }
0x60: {  	_ =	shalt  }
0x61: {  	_ =	shalt  }
0x62: {  	_ =	shalt  }
0x63: {  	_ =	shalt  }
0x64: {  	_ =	shalt  }
0x65: {  	_ =	shalt  }
0x66: {  	_ =	shalt  }
0x67: {  	_ =	shalt  }
0x68: {  	_ =	shalt  }
0x69: {  	_ =	shalt  }
0x6a: {  	_ =	shalt  }
0x6b: {  	_ =	shalt  }
0x6c: {  	_ =	shalt  }
0x6d: {  	_ =	shalt  }
0x6e: {  	_ =	shalt  }
0x6f: {  	_ =	shalt  }
0x70: {  	_ =	shalt  }
0x71: {  	_ =	shalt  }
0x72: {  	_ =	shalt  }
0x73: {  	_ =	shalt  }
0x74: {  	_ =	shalt  }
0x75: {  	_ =	shalt  }
0x76: {  	_ =	shalt  }
0x77: {  	_ =	shalt  }
0x78: {  	_ =	shalt  }
0x79: {  	_ =	shalt  }
0x7a: {  	_ =	shalt  }
0x7b: {  	_ =	shalt  }
0x7c: {  	_ =	shalt  }
0x7d: {  	_ =	shalt  }
0x7e: {  	_ =	shalt  }
0x7f: {  	_ =	shalt  }
0x80: {  	_ =	shalt  }
0x81: {  	_ =	shalt  }
0x82: {  	_ =	shalt  }
0x83: {  	_ =	shalt  }
0x84: {  	_ =	shalt  }
0x85: {  	_ =	shalt  }
0x86: {  	_ =	shalt  }
0x87: {  	_ =	shalt  }
.Lfunc_end0:
.L_simem_size_0:
called_computation.1_lowered:
.L_overlay_start_0:
0x88: {  	s2 =	sld [smem:$0x3FD9]  }
0x89: {  	s3 =	sld [smem:$0x3FFE];
	_ =	sdelay $0x1  }
0x8a: {  	s1 =	srdreg.scid  }
0x8b: {  	s0 =	sand.u32 $0x1, s1  }
0x8c: {  	s16 =	sshll.u32 s0, $0xA;
	s2 =	sadd.s32 s3, s2  }
0x8d: {  	s2 =	sadd.s32 s2, s16  }
0x8e: {  	[smem:$0x3FC0] =	sst s2  }
0x8f: {  	_ = 	snop  }
0x90: {  	(tm) =	ssettm $0x1  }
0x91: {  	s17 =	sld [smem:$0x3FFB];
	_ =	sdelay $0x3  }
0x92: {  	_ =	strace s17  }
0x93: {  	s2 =	sld [smem:$0x3FFC];
	_ =	sdelay $0x3  }
0x94: {  	_ =	strace s2  }
0x95: {  	s2 =	sld [smem:$0x3FFD];
	_ =	sdelay $0x3  }
0x96: {  	_ =	strace s2  }
0x97: {  	_ =	strace $0x8FFFFFFF  }
0x98: {  	s18 =	sld [smem:$0x3FDB];
	_ =	sdelay $0x1  }
0x99: {  	s19 =	simm.s32 $_scs_section_size  }
0x9a: {  	s4 =	simm.s32 $_size__tile_overlayer_lowered;
	s5 =	simm.s32 $_tile_overlayer_lowered  }
0x9b: {  	s22 =	simm.s32 $0x1BFF;
	s21 =	sshll.u32 s5, $0x1;
	s2 =	sadd.s32 s19, s18  }
0x9c: {  	s6 =	simm.s32 $0x0;
	s20 =	sshll.u32 s4, $0x1;
	s4 =	sadd.s32 s21, s2  }
0x9d: {  	[timem:s6], [sflag:s22] =	dma.local [hbm:s4], s20  }
0x9e: {  	_ =	swait.ge [sflag:s22], s20  }
0x9f: {  	s3 =	ssub.s32 $0x0, s20;
	[sflag:s22] =	ssyncset.done $0x0  }
0xa0: {  	[sflag:s22] =	ssyncadd.s32 s3;
	_ =	sdelay $0x1  }
0xa1: {  	s23 =	simm.s32 $0x1B8B  }
0xa2: {  	_ =	swait.ge [sflag:s23], $0x1  }
0xa3: {  	[sflag:s23] =	ssyncset.done $0x0  }
0xa4: {  	s25 =	simm.s32 $0x1B8E;
	s24 =	sld [smem:$0x3FFE];
	[sflag:s23] =	ssyncadd.s32 $0xFFFFFFFF  }
0xa5: {  	s26 =	simm.s32 $execute0_lowered;
	[smem:$0x3FD2] =	sst s25  }
0xa6: {  	s4 =	sshll.u32 s26, $0x1;
	_ =	strace $0x80000049;
	[dreg:$0x1] =	wrdreg $0xFFFFFFFF  }
0xa7: {  	s28 =	simm.s32 $_size_execute0_lowered;
	s2 =	sadd.s32 s2, s4;
	[dreg:$0x0] =	wrdreg $0x0  }
0xa8: {  	s4 =	sshll.u32 s28, $0x1;
	[dreg:$0x2] =	wrdreg s2  }
0xa9: {  	[dreg:$0x3] =	wrdreg s4  }
0xaa: {  	[dreg:$0x4] =	wrdreg $0xC0  }
0xab: {  	_ =	task [dreg:s6], $0x5FFFF  }
0xac: {  	[dreg:$0x1] =	wrdreg $0xFFFFFFFF  }
0xad: {  	[dreg:$0x0] =	wrdreg $0x60  }
0xae: {  	[dreg:$0x2] =	wrdreg s24  }
0xaf: {  	[dreg:$0x3] =	wrdreg $0x0  }
0xb0: {  	[dreg:$0x4] =	wrdreg $0x9  }
0xb1: {  	_ =	task.clear_ibuf [dreg:s6], $0x5FFFF;
	_ =	strace $0x90000049  }
0xb2: {  	s29 =	simm.s32 $0x9;
	_ =	strace $0x8000004B  }
0xb3: {  	_ =	swait.ge [sflag:s29], $0x1  }
0xb4: {  	[sflag:s29] =	ssyncadd.s32 $0xFFFFFFFF  }
0xb5: {  	_ =	strace $0x9000004B  }
0xb6: {  	_ =	sfence  }
0xb7: {  	s30 =	sld [smem:$0x0];
	_ =	sdelay $0x2  }
0xb8: {  	s31 =	sshll.u32 s1, $0xD;
	s1 =	sshrl.u32 s1, $0x2  }
0xb9: {  	s3 =	sand.u32 $0x4000, s31;
	s1 =	sadd.s32 s1, s30  }
0xba: {  	s0 =	sor.u32 s3, s0;
	s1 =	sshll.u32 s1, $0x11  }
0xbb: {  	s0 =	sor.u32 s1, s0  }
0xbc: {  	s0 =	sadd.s32 $0x8F2B, s0  }
0xbd: {  	[sflag:s0] =	ssyncadd.remote.s32 $0x1  }
0xbe: {  	_ =	sfence.sel $0xFFFF  }
0xbf: {  	[dreg:$0x0] =	wrdreg $0xFFFFFFFF;
	(pc) =	sbr.abs _section_cstart, $3  }
0xc0: {  	[dreg:$0x1] =	wrdreg $0xFFFFFFFF  }
0xc1: {  	_ =	task.clear_ibuf [dreg:s6], $0x2FFFF;
	_ =	strace $0x9FFFFFFF  }
0xc2: {  	(tm) =	ssettm $0x7FFFFFFF  }
0xc3: {  	_ =	shalt  }
tec
execute0_lowered:
.L_overlay_start_1:
0x0: {  	(tag) =	ssettag $0x1  }
0x1: {  	s7 =	rddreg [dreg:$0x0]  }
0x2: {  	s2 =	rddreg [dreg:$0x1]  }
0x3: {  	s0 =	rddreg [dreg:$0x2];
	s3 =	simm.s32 $0x0;
	s4 =	srdreg.scid  }
0x4: {  	s1 =	stileid.u32;
	s22 =	simm.s32 $0x14000;
	s23 =	simm.s32 $0x14080  }
0x5: {  	s24 =	simm.s32 $0x80;
	s25 =	simm.s32 $0x1;
	s26 =	simm.s32 $0x0  }
0x6: {  	[smem:$0x7FF] =	sst s3;
	s18 =	sand.u32 $0x1, s4;
	s8 =	smul.u32 $0x280, s1  }
0x7: {  	s4 =	sadd.s32 $0x16200, s7;
	s5 =	sadd.s32 $0xC400, s7;
	s10 =	smul.u32 $0x50000, s1  }
0x8: {  	s6 =	sadd.s32 $0x2600, s7;
	s21 =	sshll.u32 s1, $0x7;
	_ =	strace $0x8000004A  }
0x9: {  	s9 =	smul.u32 $0x2800, s18;
	s31 =	ssub.s32 $0x2, s18;
	s19 =	sshll.u32 s18, $0x4  }
0xa: {  	s20 =	sshll.u32 s18, $0xB;
	s11 =	sshrl.u32 s31, $0x1;
	s10 =	sshrl.u32 s10, $0x2  }
0xb: {  	s19 =	sor.u32 s19, s1;
	s8 =	sadd.s32 s8, s9;
	s17 =	ssub.s32 s31, s11  }
0xc: {  	s19 =	ssub.s32 $0x9E3, s19;
	s8 =	sshll.u32 s8, $0x4;
	s17 =	smax.u32 s17, $0x1  }
0xd: {  	s18 =	sshrl.u32 s19, $0x5;
	s19 =	sor.u32 s21, s20;
	s20 =	simm.s32 $0x14100  }
0xe: {  	s21 =	simm.s32 $0x2;
	s16 =	sadd.s32 s8, s7;
	s7 =	sadd.s32 s10, s2  }
0xf: {  	s8 =	sadd.s32 $0x4000, s7;
	s9 =	sadd.s32 $0x8000, s7;
	s10 =	sadd.s32 $0xC000, s7  }
0x10: {  	s11 =	sadd.s32 $0x10000, s7;
	s12 =	sadd.s32 $0x3E200, s16;
	s13 =	sadd.s32 $0x3EA00, s16  }
0x11: {  	v0 =	vimm.f32 $0.0e+00;
	s14 =	sadd.s32 $0x3F200, s16;
	s15 =	sadd.s32 $0x3FA00, s16;
	s16 =	sadd.s32 $0x40200, s16  }
.LBB2_1:
0x12: {  	s28 =	simm.s32 $0x0;
	s29 =	simm.s32 $0x200  }
.LBB2_2:
0x13: {  	p0 =	sne.s32 s29, $0xFE00;
	[tilespmem:s28+$0x14170] =	vst v0  }
0x14: {  	[tilespmem:s28+$0x14100] =	vst v0  }
0x15: {  	[tilespmem:s28+$0x14110] =	vst v0  }
.Ltmp0:
0x16: {  	[tilespmem:s28+$0x14120] =	vst v0;
	(pc) =	sbr.rel @p0 .LBB2_2-.Ltmp0, $4  }
0x17: {  	[tilespmem:s28+$0x14130] =	vst v0  }
0x18: {  	[tilespmem:s28+$0x14140] =	vst v0  }
0x19: {  	[tilespmem:s28+$0x14150] =	vst v0  }
0x1a: {  	[tilespmem:s28+$0x14160] =	vst v0;
	s28 =	sshra.s32 s29, $0x2;
	s29 =	sadd.s32 $0x200, s29  }
0x1b: {  	[tilespmem:s28+$0x14170] =	vst v0  }
0x1c: {  	[tilespmem:s28+$0x14100] =	vst v0  }
0x1d: {  	[tilespmem:s28+$0x14110] =	vst v0  }
0x1e: {  	[tilespmem:s28+$0x14120] =	vst v0  }
0x1f: {  	[tilespmem:s28+$0x14130] =	vst v0  }
0x20: {  	[tilespmem:s28+$0x14140] =	vst v0  }
0x21: {  	[tilespmem:s28+$0x14150] =	vst v0  }
0x22: {  	[tilespmem:s28+$0x14160] =	vst v0  }
0x23: {  	[spmem:s7] =	stream.linear.scatter [tilespmem:s20], [sflag:$0x2], $0x4000, $0x38;
	[tilespmem:$0x18100] =	vst v63  }
0x24: {  	_ =	swait.ge [sflag:s21], $0x4000  }
0x25: {  	[sflag:s21] =	ssyncset.done $0x0  }
0x26: {  	[sflag:s21] =	ssyncadd.s32 $0xFFFFC000  }
0x27: {  	[spmem:s8] =	stream.linear.scatter [tilespmem:s20], [sflag:$0x2], $0x4000, $0x38;
	[tilespmem:$0x18100] =	vst v63  }
0x28: {  	_ =	swait.ge [sflag:s21], $0x4000  }
0x29: {  	[sflag:s21] =	ssyncset.done $0x0  }
0x2a: {  	[sflag:s21] =	ssyncadd.s32 $0xFFFFC000  }
0x2b: {  	[spmem:s9] =	stream.linear.scatter [tilespmem:s20], [sflag:$0x2], $0x4000, $0x38;
	[tilespmem:$0x18100] =	vst v63  }
0x2c: {  	_ =	swait.ge [sflag:s21], $0x4000  }
0x2d: {  	[sflag:s21] =	ssyncset.done $0x0  }
0x2e: {  	[sflag:s21] =	ssyncadd.s32 $0xFFFFC000  }
0x2f: {  	[spmem:s10] =	stream.linear.scatter [tilespmem:s20], [sflag:$0x2], $0x4000, $0x38;
	[tilespmem:$0x18100] =	vst v63  }
0x30: {  	_ =	swait.ge [sflag:s21], $0x4000  }
0x31: {  	[sflag:s21] =	ssyncset.done $0x0  }
0x32: {  	p1 =	sne.s32 s18, $0x1;
	[sflag:s21] =	ssyncadd.s32 $0xFFFFC000  }
0x33: {  	[spmem:s11] =	stream.linear.scatter [tilespmem:s20], [sflag:$0x2], $0x4000, $0x38;
	[tilespmem:$0x18100] =	vst v63  }
.Ltmp1:
0x34: {  	_ =	swait.ge [sflag:s21], $0x4000;
	(pc) =	sbr.rel @!p1 .LBB2_6-.Ltmp1, $4  }
0x35: {  	[sflag:s21] =	ssyncset.done $0x0  }
0x36: {  	[sflag:s21] =	ssyncadd.s32 $0xFFFFC000  }
0x37: {  	[bflag:$0x0] =	sbarrier.arrive $0xFFFF  }
0x38: {  	s28 =	sadd.s32 $0xFFFFFFFF, s18;
	s30 =	sshrl.u32 s19, $0x3;
	p0 =	por $0x0, $0x0  }
0x39: {  	s29 =	sadd.s32 s5, s30  }
0x3a: {  	[tilespmem:s22], [sflag:$0x2] =	stream.linear.gather [hbm4b:s29+s3], $0x80, $0x38;
	[tilespmem:$0x18100] =	vst v63  }
0x3b: {  	_ =	swait.ge [sflag:s21], $0x80  }
0x3c: {  	[sflag:s21] =	ssyncset.done $0x0  }
0x3d: {  	s29 =	sadd.s32 s6, s30;
	[sflag:s21] =	ssyncadd.s32 $0xFFFFFF80  }
0x3e: {  	[tilespmem:s23], [sflag:$0x2] =	stream.linear.gather [hbm4b:s29+s3], $0x80, $0x38;
	[tilespmem:$0x18100] =	vst v63  }
0x3f: {  	_ =	swait.ge [sflag:s21], $0x80  }
0x40: {  	[sflag:s21] =	ssyncset.done $0x0  }
0x41: {  	[sflag:s21] =	ssyncadd.s32 $0xFFFFFF80  }
0x42: {  	[tilespmem:s20], [sflag:$0x1] =	stream.indirect.gather [hbm4b:s4+s24], $0x80, s22, s24, $0xb8;
	[tilespmem:$0x18100] =	vst v63  }
0x43: {  	p1 =	sne.s32 s28, $0x1;
	_ =	swait.ge [sflag:s25], $0x4000  }
.Ltmp2:
0x44: {  	[sflag:s25] =	ssyncset.done $0x0;
	(pc) =	sbr.rel @!p1 .LBB2_6-.Ltmp2, $4  }
0x45: {  	[sflag:s25] =	ssyncadd.s32 $0xFFFFC000  }
0x46: {  	[spmem:s2] =	stream.indirect.scatter.add.f32 [tilespmem:s20], [sflag:$0x2], $0x80, s23, s24, $0xb8;
	[tilespmem:$0x18100] =	vst v63  }
0x47: {  	s28 =	sadd.s32 $0xFFFFFFFF, s28;
	s29 =	sadd.s32 $0x1000, s19;
	_ =	swait.ge [sflag:s21], $0x4000  }
0x48: {  	p0 =	por $0x1, $0x1;
	s30 =	sshrl.u32 s29, $0x3;
	[sflag:s21] =	ssyncset.done $0x0  }
.LBB2_5:
0x49: {  	p1 =	sne.s32 s28, $0x1;
	s31 =	sadd.s32 s5, s30;
	[sflag:s21] =	ssyncadd.s32 $0xFFFFC000  }
0x4a: {  	[tilespmem:s22], [sflag:$0x2] =	stream.linear.gather [hbm4b:s31+s3], $0x80, $0x38;
	[tilespmem:$0x18100] =	vst v63  }
0x4b: {  	s28 =	sadd.s32 $0xFFFFFFFF, s28;
	_ =	swait.ge [sflag:s21], $0x80  }
0x4c: {  	[sflag:s21] =	ssyncset.done $0x0  }
0x4d: {  	s30 =	sadd.s32 s6, s30;
	[sflag:s21] =	ssyncadd.s32 $0xFFFFFF80  }
0x4e: {  	[tilespmem:s23], [sflag:$0x2] =	stream.linear.gather [hbm4b:s30+s3], $0x80, $0x38;
	[tilespmem:$0x18100] =	vst v63  }
0x4f: {  	_ =	swait.ge [sflag:s21], $0x80  }
0x50: {  	[sflag:s21] =	ssyncset.done $0x0  }
0x51: {  	[sflag:s21] =	ssyncadd.s32 $0xFFFFFF80  }
0x52: {  	[tilespmem:s20], [sflag:$0x1] =	stream.indirect.gather [hbm4b:s4+s24], $0x80, s22, s24, $0xb8;
	[tilespmem:$0x18100] =	vst v63  }
0x53: {  	_ =	swait.ge [sflag:s25], $0x4000  }
.Ltmp3:
0x54: {  	[sflag:s25] =	ssyncset.done $0x0;
	(pc) =	sbr.rel @p1 .LBB2_5-.Ltmp3, $4  }
0x55: {  	[sflag:s25] =	ssyncadd.s32 $0xFFFFC000  }
0x56: {  	[spmem:s2] =	stream.indirect.scatter.add.f32 [tilespmem:s20], [sflag:$0x2], $0x80, s23, s24, $0xb8;
	[tilespmem:$0x18100] =	vst v63  }
0x57: {  	s29 =	sadd.s32 $0x1000, s29;
	_ =	swait.ge [sflag:s21], $0x4000  }
0x58: {  	s30 =	sshrl.u32 s29, $0x3;
	[sflag:s21] =	ssyncset.done $0x0  }
.LBB2_6:
0x59: {  	s28 =	sadd.s32 s5, s30;
	[sflag:s21] =	ssyncadd.s32 @p0 $0xFFFFC000  }
0x5a: {  	[tilespmem:s22], [sflag:$0x2] =	stream.linear.gather [hbm4b:s28+s3], $0x80, $0x38;
	[tilespmem:$0x18100] =	vst v63  }
0x5b: {  	_ =	swait.ge [sflag:s21], $0x80  }
0x5c: {  	[sflag:s21] =	ssyncset.done $0x0  }
0x5d: {  	s31 =	sadd.s32 s6, s30;
	[sflag:s21] =	ssyncadd.s32 $0xFFFFFF80  }
0x5e: {  	[tilespmem:s23], [sflag:$0x2] =	stream.linear.gather [hbm4b:s31+s3], $0x80, $0x38;
	[tilespmem:$0x18100] =	vst v63  }
0x5f: {  	_ =	swait.ge [sflag:s21], $0x80  }
0x60: {  	[sflag:s21] =	ssyncset.done $0x0  }
0x61: {  	[sflag:s21] =	ssyncadd.s32 $0xFFFFFF80  }
0x62: {  	[tilespmem:s20], [sflag:$0x1] =	stream.indirect.gather [hbm4b:s4+s24], $0x80, s22, s24, $0xb8;
	[tilespmem:$0x18100] =	vst v63  }
0x63: {  	_ =	swait.ge [sflag:s25], $0x4000  }
0x64: {  	[sflag:s25] =	ssyncset.done $0x0  }
0x65: {  	[sflag:s25] =	ssyncadd.s32 $0xFFFFC000  }
0x66: {  	[spmem:s2] =	stream.indirect.scatter.add.f32 [tilespmem:s20], [sflag:$0x2], $0x80, s23, s24, $0xb8;
	[tilespmem:$0x18100] =	vst v63  }
0x67: {  	_ =	swait.ge [sflag:s21], $0x4000  }
0x68: {  	[sflag:s21] =	ssyncset.done $0x0  }
0x69: {  	s29 =	sshll.u32 s1, $0x6;
	[sflag:s21] =	ssyncadd.s32 $0xFFFFC000  }
0x6a: {  	s28 =	sor.u32 $0x1C02, s29;
	s29 =	sshrl.u32 s7, $0x3;
	[bflag:$0x0] =	sbarrier.arrive $0xFFFF  }
0x6b: {  	[hbm:s12], [sflag:s28] =	dma.local [spmem:s29], $0x800  }
0x6c: {  	_ =	swait.ge [sflag:s21], $0x800  }
0x6d: {  	[sflag:s21] =	ssyncset.done $0x0  }
0x6e: {  	s30 =	sshrl.u32 s8, $0x3;
	[sflag:s21] =	ssyncadd.s32 $0xFFFFF800  }
0x6f: {  	[hbm:s13], [sflag:s28] =	dma.local [spmem:s30], $0x800  }
0x70: {  	_ =	swait.ge [sflag:s21], $0x800  }
0x71: {  	[sflag:s21] =	ssyncset.done $0x0  }
0x72: {  	s31 =	sshrl.u32 s9, $0x3;
	[sflag:s21] =	ssyncadd.s32 $0xFFFFF800  }
0x73: {  	[hbm:s14], [sflag:s28] =	dma.local [spmem:s31], $0x800  }
0x74: {  	_ =	swait.ge [sflag:s21], $0x800  }
0x75: {  	[sflag:s21] =	ssyncset.done $0x0  }
0x76: {  	s30 =	sshrl.u32 s10, $0x3;
	[sflag:s21] =	ssyncadd.s32 $0xFFFFF800  }
0x77: {  	[hbm:s15], [sflag:s28] =	dma.local [spmem:s30], $0x800  }
0x78: {  	s26 =	sadd.s32 $0x1, s26;
	_ =	swait.ge [sflag:s21], $0x800  }
0x79: {  	p0 =	sne.s32 s26, s17;
	[sflag:s21] =	ssyncset.done $0x0  }
.Ltmp4:
0x7a: {  	s31 =	sshrl.u32 s11, $0x3;
	[sflag:s21] =	ssyncadd.s32 $0xFFFFF800;
	(pc) =	sbr.rel @p0 .LBB2_1-.Ltmp4, $4  }
0x7b: {  	[hbm:s16], [sflag:s28] =	dma.local [spmem:s31], $0x800  }
0x7c: {  	_ =	swait.ge [sflag:s21], $0x800  }
0x7d: {  	[sflag:s21] =	ssyncset.done $0x0  }
0x7e: {  	[sflag:s21] =	ssyncadd.s32 $0xFFFFF800  }
0x7f: {  	_ =	sfence.sel $0x180000  }
0x80: {  	[bflag:$0x0] =	sbarrier.arrive $0xFFFF  }
0x81: {  	p0 =	sne.s32 s1, $0x0;
	_ =	strace $0x9000004A  }
0x82: {  	s0 =	sadd.s32 @!p0 $0x100000, s0;
	[bflag:$0x2] =	sbarrier.arrive $0xFFFF  }
0x83: {  	[sflag:s0] =	ssyncadd.tile.s32 @!p0 $0x1;
	_ =	shalt  }
.Lfunc_end2:
_tile_overlayer_lowered:
.L_overlay_start_2:
0x84: {  	(tag) =	ssettag $0x2  }
0x85: {  	s0 =	rddreg [dreg:$0x0];
	s2 =	stileid.u32  }
0x86: {  	s1 =	rddreg [dreg:$0x1];
	p0 =	sne.s32 s2, $0x0  }
0x87: {  	s3 =	rddreg [dreg:$0x2];
	[bflag:$0x3] =	sbarrier.arrive $0xFFFF;
	s2 =	simm.s32 @!p0 $0x1C02  }
0x88: {  	[timem:s3], [sflag:s2] =	dma.local @!p0 [hbm:s0], s1  }
0x89: {  	s0 =	simm.s32 @!p0 $0x2  }
0x8a: {  	_ =	swait.ge @!p0 [sflag:s0], s1  }
0x8b: {  	s1 =	ssub.s32 @!p0 $0x0, s1;
	[sflag:s0] =	ssyncset.done @!p0 $0x0  }
0x8c: {  	[sflag:s0] =	ssyncadd.s32 @!p0 s1  }
0x8d: {  	[bflag:$0x3] =	sbarrier.arrive $0xFFFF  }
0x8e: {  	_ =	shalt  }

</sc_bundles>
